<compile_context>
chip_gen: v7x
topology: tpu7x:2x2x1
jax: 0.10.2.dev20260603
libtpu: 0.0.44.dev20260713+nightly
codegen_flags: <defaults>
</compile_context>

<pallas_src>
import functools

import jax
import jax.numpy as jnp
from jax import lax
from jax.experimental import pallas as pl
from jax.experimental.pallas import tpu as pltpu
from jax.experimental.pallas import tpu_sc as plsc

N = 10000
E = 320000
EP = 327680
F = 128
HID = 32
MAXZ = 119

_NS = 16
_NC = 2
_NTILE = _NS * _NC
_EA = E // _NS
_EAP = 20096
_AROWS = _EAP // 128
_EB = E // _NTILE
_CH = 2000
_NCH = _EB // _CH
_VCH = _CH // 16
_CNTP = N + 16
_DUMMY = N

@functools.cache
def _sc_edge_streams_kernel():
    mesh = plsc.VectorSubcoreMesh(core_axis_name="c", subcore_axis_name="s",
                                  num_cores=_NC, num_subcores=_NS)
    return pl.kernel(
        _sc_body,
        out_type=[jax.ShapeDtypeStruct((EP,), jnp.float32)] * 3,
        mesh=mesh,
        scratch_types=[
            pltpu.VMEM_SHARED((_CNTP,), jnp.float32),
            pltpu.VMEM((_EAP,), jnp.int32),
            pltpu.VMEM((_AROWS, 128), jnp.int32),
            pltpu.VMEM((128,), jnp.float32),
            pltpu.VMEM((_CNTP,), jnp.float32),
            pltpu.VMEM((N,), jnp.int32),
            pltpu.VMEM((N,), jnp.int32),
            pltpu.VMEM((2 * _CH,), jnp.int32),
            pltpu.VMEM((2 * _CH,), jnp.int32),
            pltpu.VMEM((2 * _CH,), jnp.float32),
            pltpu.VMEM((2 * _CH,), jnp.float32),
            pltpu.VMEM((2 * _CH,), jnp.float32),
            pltpu.VMEM((EP - E,), jnp.float32),
            pltpu.SemaphoreType.DMA,
            pltpu.SemaphoreType.DMA,
            pltpu.SemaphoreType.DMA,
        ],
        compiler_params=pltpu.CompilerParams(needs_layout_passes=False),
    )


def _sc_body(send_hbm, recv_hbm, num_hbm, gr_hbm,
                     z_hbm, gi_hbm, w_hbm,
                     cnt_sh, buf1d, idx2, ones_row, winv_v, numbers_v,
                     graph_v, send_v, recv_v, z_v, gi_v, w_v,
                     zpad_v, semA, semL, semS):
    c = lax.axis_index("c")
    s = lax.axis_index("s")
    wid = s * _NC + c

    ones16 = jnp.ones((16,), jnp.float32)
    for k in range(8):
        ones_row[pl.ds(k * 16, 16)] = ones16
    dummy16 = jnp.full((16,), _DUMMY, jnp.int32)
    for k in range((_EAP - _EA) // 16):
        buf1d[pl.ds(_EA + k * 16, 16)] = dummy16

    @pl.when(wid == 0)
    def _zero_tails():
        z16f = jnp.zeros((16,), jnp.float32)

        def zb(i, _):
            zpad_v[pl.ds(i * 16, 16)] = z16f
            return 0

        lax.fori_loop(0, (EP - E) // 16, zb, 0)
        pltpu.sync_copy(zpad_v, z_hbm.at[pl.ds(E, EP - E)])
        pltpu.sync_copy(zpad_v, gi_hbm.at[pl.ds(E, EP - E)])
        pltpu.sync_copy(zpad_v, w_hbm.at[pl.ds(E, EP - E)])

    @pl.when(s == 0)
    def _zero_cnt():
        z16 = jnp.zeros((16,), jnp.float32)

        def zbody(i, _):
            winv_v[pl.ds(i * 16, 16)] = z16
            return 0

        lax.fori_loop(0, _CNTP // 16, zbody, 0)
        pltpu.sync_copy(winv_v, cnt_sh)

    pltpu.sync_copy(recv_hbm.at[pl.ds(s * _EA, _EA)], buf1d.at[pl.ds(0, _EA)])

    @plsc.parallel_loop(0, _EAP // 16, unroll=8)
    def repack(k):
        idx2[k // 8, pl.ds((k % 8) * 16, 16)] = buf1d[pl.ds(k * 16, 16)]

    plsc.subcore_barrier()

    def fire(j, _):
        pltpu.make_async_copy(ones_row, cnt_sh.at[idx2.at[j]], semA).start(add=True)

        @pl.when(j >= 16)
        def _():
            pltpu.make_async_copy(ones_row, cnt_sh.at[idx2.at[0]], semA).wait()

        return 0

    lax.fori_loop(0, _AROWS, fire, 0)

    def drain(j, _):
        pltpu.make_async_copy(ones_row, cnt_sh.at[idx2.at[0]], semA).wait()
        return 0

    lax.fori_loop(0, 16, drain, 0)

    plsc.subcore_barrier()

    pltpu.sync_copy(cnt_sh, winv_v)

    @plsc.parallel_loop(0, _CNTP // 16, unroll=4)
    def wbody(i):
        cvec = winv_v[pl.ds(i * 16, 16)]
        winv_v[pl.ds(i * 16, 16)] = 1.0 / jnp.maximum(cvec, 1.0)

    pltpu.sync_copy(num_hbm, numbers_v)
    pltpu.sync_copy(gr_hbm, graph_v)

    outs = (z_v, gi_v, w_v)
    out_hbms = (z_hbm, gi_hbm, w_hbm)

    def _load_descs(ch):
        p = lax.rem(ch, 2)
        base = wid * _EB + ch * _CH
        return (
            pltpu.make_async_copy(send_hbm.at[pl.ds(base, _CH)],
                                  send_v.at[pl.ds(p * _CH, _CH)], semL),
            pltpu.make_async_copy(recv_hbm.at[pl.ds(base, _CH)],
                                  recv_v.at[pl.ds(p * _CH, _CH)], semL),
        )

    def _store_descs(ch):
        p = lax.rem(ch, 2)
        base = wid * _EB + ch * _CH
        return tuple(
            pltpu.make_async_copy(v.at[pl.ds(p * _CH, _CH)],
                                  hbm.at[pl.ds(base, _CH)], semS)
            for v, hbm in zip(outs, out_hbms))

    for d in _load_descs(0):
        d.start()

    def chunk_body(ch, _):
        p = lax.rem(ch, 2)
        off0 = p * _CH
        for d in _load_descs(ch):
            d.wait()

        @pl.when(ch >= 1)
        def _wait_prev_stores():
            for d in _store_descs(ch - 1):
                d.wait()

        @pl.when(ch + 1 < _NCH)
        def _next_loads():
            for d in _load_descs(ch + 1):
                d.start()

        @plsc.parallel_loop(0, _VCH, unroll=4)
        def vbody(i):
            off = off0 + i * 16
            s16 = send_v[pl.ds(off, 16)]
            r16 = recv_v[pl.ds(off, 16)]
            z16 = plsc.load_gather(numbers_v, [s16])
            g16 = plsc.load_gather(graph_v, [r16])
            w16 = plsc.load_gather(winv_v, [r16])
            z_v[pl.ds(off, 16)] = z16.astype(jnp.float32)
            gi_v[pl.ds(off, 16)] = g16.astype(jnp.float32)
            w_v[pl.ds(off, 16)] = w16

        for d in _store_descs(ch):
            d.start()
        return 0

    lax.fori_loop(0, _NCH, chunk_body, 0)
    for d in _store_descs(_NCH - 1):
        d.wait()


_B = 5120
_NBLK = EP // _B


def _prep_body(wl0T, embTp, embWT_out):
    embWT_out[...] = jnp.dot(wl0T[...], embTp[...],
                             preferred_element_type=jnp.float32
                             ).astype(jnp.bfloat16)


def _tc_body(rn2_ref, zf_ref, gif_ref, w_ref, ugc, vgc, bc, mco, w2aT, b2ac,
             embWT_s, G_ref):
    i = pl.program_id(0)

    @pl.when(i == 0)
    def _init():
        G_ref[...] = jnp.zeros_like(G_ref)

    rn2 = rn2_ref[...].reshape(1, _B)
    zf = zf_ref[...].reshape(1, _B)
    gif = gif_ref[...].reshape(1, _B)
    w = w_ref[...].reshape(1, _B)
    rnorm = jnp.sqrt(rn2)
    mc = mco[...]
    var = rn2 * mc[0:1, 0:1] + rnorm * mc[0:1, 1:2] + mc[0:1, 2:3]
    inv = jax.lax.rsqrt(var + 1e-6)
    rni = rnorm * inv
    hn = rni * ugc[...] + (inv * vgc[...] + bc[...])
    a = hn * jax.nn.sigmoid(hn)
    scT = jnp.dot(w2aT[...], a.astype(jnp.bfloat16),
                  preferred_element_type=jnp.float32) + b2ac[...]
    zio = lax.broadcasted_iota(jnp.int32, (F, _B), 0)
    zoh = (zio == zf.astype(jnp.int32)).astype(jnp.bfloat16)
    embT = jnp.dot(embWT_s[...], zoh, preferred_element_type=jnp.float32)
    msgT = scT * embT
    gio = lax.broadcasted_iota(jnp.int32, (8, _B), 0)
    wq = jnp.where(gio == gif.astype(jnp.int32), w, 0.0)
    G_ref[...] += lax.dot_general(wq, msgT, (((1,), (1,)), ((), ())),
                                  preferred_element_type=jnp.float32)


def _final_body(G_ref, ngi_ref, m2w1, m2b1, m2g, m2bt, m2w2, m2b2, out_ref):
    ngi = ngi_ref[...]
    Gm = G_ref[...]
    rows = []
    for g in range(4):
        cg = jnp.maximum(jnp.sum((ngi == g).astype(jnp.float32)), 1.0)
        rows.append(Gm[g:g + 1, :] / cg)
    gmean = jnp.concatenate(rows, axis=0)
    h2 = jnp.dot(gmean, m2w1[...], preferred_element_type=jnp.float32) + m2b1[...]
    mu2 = jnp.mean(h2, axis=1, keepdims=True)
    var2 = jnp.mean((h2 - mu2) ** 2, axis=1, keepdims=True)
    hn2 = (h2 - mu2) / jnp.sqrt(var2 + 1e-6) * m2g[...] + m2bt[...]
    a2 = hn2 * jax.nn.sigmoid(hn2)
    out_ref[...] = jnp.dot(a2, m2w2[...],
                           preferred_element_type=jnp.float32) + m2b2[...]


def _const_spec(shape):
    return pl.BlockSpec(shape, lambda i: tuple(0 for _ in shape))


def _tc_call(rn2, zf, gif, wf, ugc, vgc, bc, mco, w2aT, b2ac, wl0T, embTp,
             ngi, m2w1, m2b1, m2g, m2bt, m2w2, m2b2, interpret=False):
    embWT = pl.pallas_call(
        _prep_body,
        out_shape=jax.ShapeDtypeStruct((F, F), jnp.bfloat16),
        interpret=interpret,
    )(wl0T, embTp)
    edge_spec = pl.BlockSpec((_B,), lambda i: (i,))
    G = pl.pallas_call(
        _tc_body,
        grid=(_NBLK,),
        in_specs=[
            edge_spec,
            edge_spec,
            edge_spec,
            edge_spec,
            _const_spec((HID, 1)),
            _const_spec((HID, 1)),
            _const_spec((HID, 1)),
            _const_spec((1, 4)),
            _const_spec((F, HID)),
            _const_spec((F, 1)),
            _const_spec((F, F)),
        ],
        out_specs=pl.BlockSpec((8, F), lambda i: (0, 0)),
        out_shape=jax.ShapeDtypeStruct((8, F), jnp.float32),
        compiler_params=pltpu.CompilerParams(
            dimension_semantics=("arbitrary",)),
        interpret=interpret,
    )(rn2, zf, gif, wf, ugc, vgc, bc, mco, w2aT, b2ac, embWT)
    return pl.pallas_call(
        _final_body,
        out_shape=jax.ShapeDtypeStruct((4, F), jnp.float32),
        interpret=interpret,
    )(G, ngi, m2w1, m2b1, m2g, m2bt, m2w2, m2b2)


def kernel(numbers, relative_vectors, senders, receivers, node_graph_idx,
           embed, Wl0, Wl1, m1_W1, m1_b1, m1_g, m1_beta, m1_W2, m1_b2,
           m2_W1, m2_b1, m2_g, m2_beta, m2_W2, m2_b2):
    f32, i32 = jnp.float32, jnp.int32
    rv32 = relative_vectors.astype(f32)
    rn2 = jnp.pad(jnp.sum(rv32 * rv32, axis=1), (0, EP - E))
    zf, gif, wf = _sc_edge_streams_kernel()(
        senders.astype(i32), receivers.astype(i32),
        numbers.astype(i32), node_graph_idx.astype(i32))
    embTp = jnp.zeros((F, F), f32).at[:, :MAXZ].set(embed.T.astype(f32))
    ngi = node_graph_idx.astype(i32)
    w1v = m1_W1.astype(f32).reshape(HID)
    b1v = m1_b1.astype(f32).reshape(HID)
    gv = m1_g.astype(f32).reshape(HID)
    uu = w1v - jnp.mean(w1v)
    vv = b1v - jnp.mean(b1v)
    mco = jnp.stack([jnp.mean(uu * uu), 2.0 * jnp.mean(uu * vv),
                     jnp.mean(vv * vv), jnp.float32(0.0)]).reshape(1, 4)
    return _tc_call(
        rn2, zf, gif, wf,
        (uu * gv).reshape(HID, 1),
        (vv * gv).reshape(HID, 1),
        m1_beta.astype(f32).reshape(HID, 1),
        mco,
        m1_W2[:, :F].T.astype(jnp.bfloat16),
        m1_b2[:F].astype(f32).reshape(F, 1),
        Wl0.T.astype(f32),
        embTp,
        ngi,
        m2_W1.astype(f32),
        m2_b1.astype(f32).reshape(1, HID),
        m2_g.astype(f32).reshape(1, HID),
        m2_beta.astype(f32).reshape(1, HID),
        m2_W2.astype(f32),
        m2_b2.astype(f32).reshape(1, F),
    )

# --- scband reference (transcript-rebuilt; emitter-appended) ---
"""Pipeline reference for scband-simple-network-75548474737359 (READ-ONLY COPY).

The authoritative reference and input builder live on the scoring server;
editing this copy changes nothing except your own understanding.
"""

import jax, jax.numpy as jnp
import numpy as np

N_NODES = 10000
N_EDGES = 320000
F = 128
HIDDEN = 32
MAX_Z = 119
NUM_GRAPHS = 4
OUT_DIMS = 128


def _mlp(x, W1, b1, g, beta, W2, b2):
    h = x @ W1 + b1
    mu = jnp.mean(h, axis=-1, keepdims=True)
    var = jnp.var(h, axis=-1, keepdims=True)
    h = (h - mu) / jnp.sqrt(var + 1e-6) * g + beta
    h = jax.nn.silu(h)
    return h @ W2 + b2


def _segment_mean(data, ids, num):
    s = jax.ops.segment_sum(data, ids, num_segments=num)
    cnt = jax.ops.segment_sum(jnp.ones((data.shape[0],), dtype=data.dtype), ids, num_segments=num)
    cnt = jnp.maximum(cnt, 1.0).reshape((num,) + (1,) * (data.ndim - 1))
    return s / cnt


def setup_inputs(seed: int = 0):
    key = jax.random.key(seed)
    ks = jax.random.split(key, 16)
    numbers = jax.random.randint(ks[0], (N_NODES,), 0, MAX_Z)
    relative_vectors = jax.random.normal(ks[1], (N_EDGES, 3), dtype=jnp.float32)
    senders = jax.random.randint(ks[2], (N_EDGES,), 0, N_NODES)
    receivers = jax.random.randint(ks[3], (N_EDGES,), 0, N_NODES)
    node_graph_idx = jnp.sort(jax.random.randint(ks[4], (N_NODES,), 0, NUM_GRAPHS))
    embed = jax.random.normal(ks[5], (MAX_Z, F), dtype=jnp.float32) * 0.02
    Wl0 = jax.random.normal(ks[6], (F, F), dtype=jnp.float32) / np.sqrt(F)
    Wl1 = jax.random.normal(ks[7], (F, F), dtype=jnp.float32) / np.sqrt(F)
    m1_W1 = jax.random.normal(ks[8], (1, HIDDEN), dtype=jnp.float32)
    m1_b1 = jnp.zeros((HIDDEN,), jnp.float32)
    m1_g = jnp.ones((HIDDEN,), jnp.float32)
    m1_beta = jnp.zeros((HIDDEN,), jnp.float32)
    m1_W2 = jax.random.normal(ks[9], (HIDDEN, 2 * F), dtype=jnp.float32) / np.sqrt(HIDDEN)
    m1_b2 = jnp.zeros((2 * F,), jnp.float32)
    m2_W1 = jax.random.normal(ks[10], (F, HIDDEN), dtype=jnp.float32) / np.sqrt(F)
    m2_b1 = jnp.zeros((HIDDEN,), jnp.float32)
    m2_g = jnp.ones((HIDDEN,), jnp.float32)
    m2_beta = jnp.zeros((HIDDEN,), jnp.float32)
    m2_W2 = jax.random.normal(ks[11], (HIDDEN, OUT_DIMS), dtype=jnp.float32) / np.sqrt(HIDDEN)
    m2_b2 = jnp.zeros((OUT_DIMS,), jnp.float32)
    return {"numbers": numbers, "relative_vectors": relative_vectors, "senders": senders, "receivers": receivers, "node_graph_idx": node_graph_idx, "embed": embed, "Wl0": Wl0, "Wl1": Wl1, "m1_W1": m1_W1, "m1_b1": m1_b1, "m1_g": m1_g, "m1_beta": m1_beta, "m1_W2": m1_W2, "m1_b2": m1_b2, "m2_W1": m2_W1, "m2_b1": m2_b1, "m2_g": m2_g, "m2_beta": m2_beta, "m2_W2": m2_W2, "m2_b2": m2_b2}


def reference(numbers, relative_vectors, senders, receivers, node_graph_idx, embed, Wl0, Wl1, m1_W1, m1_b1, m1_g, m1_beta, m1_W2, m1_b2, m2_W1, m2_b1, m2_g, m2_beta, m2_W2, m2_b2):
    # node embedding (F x 0e irreps)
    feats = embed[numbers]
    # spherical harmonics lmax=1, normalize=True, normalization='norm': Y0 = 1, Y1 = r / ||r||
    rnorm = jnp.linalg.norm(relative_vectors, axis=-1, keepdims=True)
    u = relative_vectors / jnp.maximum(rnorm, 1e-12)
    # message passing hop (num_hops = 1)
    feat_e = feats[senders]  # gather: broadcast node features to edges
    # tensor product (1x0e + 1x1o) x (F x 0e) -> F x 0e + F x 1o, then filter(lmax=1) keeps all
    # e3nn Linear mixes channels within each irrep type
    tp_s = feat_e @ Wl0  # [E, F] scalar (0e) part: Y0 * feat
    tp_v = jnp.einsum('efc,fg->egc', feat_e[:, :, None] * u[:, None, :], Wl1)  # [E, F, 3] vector (1o) part
    # per-irrep scalar gates from edge lengths
    sc = _mlp(rnorm, m1_W1, m1_b1, m1_g, m1_beta, m1_W2, m1_b2)  # [E, 2F]
    msg_s = sc[:, :F] * tp_s
    msg_v = sc[:, F:, None] * tp_v
    # scatter_mean to destination nodes
    node_s = _segment_mean(msg_s, receivers, N_NODES)
    node_v = _segment_mean(msg_v, receivers, N_NODES)  # part of node state; dropped by filter('0e') below
    # filter('0e') then scatter_mean over graphs (nel=n_node)
    g = _segment_mean(node_s, node_graph_idx, NUM_GRAPHS)
    out = _mlp(g, m2_W1, m2_b1, m2_g, m2_beta, m2_W2, m2_b2)
    return out

if __name__ == "__main__":
    import jax
    _d = setup_inputs()
    print(jax.jit(kernel)(*tuple(_d.values())))

</pallas_src>

<mosaic_0001>
#map = affine_map<(d0, d1) -> (0)>
module attributes {stable_mosaic.version = 14 : i64} {
  func.func @_sc_body(%arg0: i32, %arg1: i32, %arg2: memref<320000xi32, #tpu.memory_space<hbm>>, %arg3: memref<320000xi32, #tpu.memory_space<hbm>>, %arg4: memref<10000xi32, #tpu.memory_space<hbm>>, %arg5: memref<10000xi32, #tpu.memory_space<hbm>>, %arg6: memref<327680xf32, #tpu.memory_space<hbm>>, %arg7: memref<327680xf32, #tpu.memory_space<hbm>>, %arg8: memref<327680xf32, #tpu.memory_space<hbm>>, %arg9: memref<10016xf32, #tpu.memory_space<vmem_shared>>, %arg10: memref<20096xi32, #tpu.memory_space<vmem>>, %arg11: memref<157x128xi32, #tpu.memory_space<vmem>>, %arg12: memref<128xf32, #tpu.memory_space<vmem>>, %arg13: memref<10016xf32, #tpu.memory_space<vmem>>, %arg14: memref<10000xi32, #tpu.memory_space<vmem>>, %arg15: memref<10000xi32, #tpu.memory_space<vmem>>, %arg16: memref<4000xi32, #tpu.memory_space<vmem>>, %arg17: memref<4000xi32, #tpu.memory_space<vmem>>, %arg18: memref<4000xf32, #tpu.memory_space<vmem>>, %arg19: memref<4000xf32, #tpu.memory_space<vmem>>, %arg20: memref<4000xf32, #tpu.memory_space<vmem>>, %arg21: memref<7680xf32, #tpu.memory_space<vmem>>, %arg22: memref<!tpu.dma_semaphore, #tpu.memory_space<semaphore_mem>>, %arg23: memref<!tpu.dma_semaphore, #tpu.memory_space<semaphore_mem>>, %arg24: memref<!tpu.dma_semaphore, #tpu.memory_space<semaphore_mem>>) attributes {dimension_semantics = [#tpu.dimension_semantics<core_parallel>, #tpu.dimension_semantics<subcore_parallel>], iteration_bounds = array<i64: 2, 16>, scalar_prefetch = 0 : i64, scratch_operands = 16 : i64, tpu.core_type = #tpu.core_type<sc_vector_subcore>, window_params = [{transform_indices = #map}, {transform_indices = #map}, {transform_indices = #map}, {transform_indices = #map}, {transform_indices = #map}, {transform_indices = #map}, {transform_indices = #map}]} {
    %mul3A = arith.constant 2 : i32
    %mul3A_0 = arith.muli %arg1, %mul3A : i32
    %add3A = arith.addi %mul3A_0, %arg0 : i32
    %broadcast_in_dim3A = arith.constant 1.000000e+00 : f32
    %broadcast_in_dim3A_1 = vector.broadcast %broadcast_in_dim3A : f32 to vector<16xf32>
    %swap3A = arith.constant 0 : index
    %swap3A_2 = tpu.vector_load %arg12[%swap3A] {strides = array<i32>} : memref<128xf32, #tpu.memory_space<vmem>>, vector<16xf32>,
    tpu.vector_store %arg12[%swap3A], %broadcast_in_dim3A_1 {strides = array<i32>} : memref<128xf32, #tpu.memory_space<vmem>>, vector<16xf32>,
    %swap3A_3 = arith.constant 16 : index
    %swap3A_4 = tpu.vector_load %arg12[%swap3A_3] {strides = array<i32>} : memref<128xf32, #tpu.memory_space<vmem>>, vector<16xf32>,
    tpu.vector_store %arg12[%swap3A_3], %broadcast_in_dim3A_1 {strides = array<i32>} : memref<128xf32, #tpu.memory_space<vmem>>, vector<16xf32>,
    %swap3A_5 = arith.constant 32 : index
    %swap3A_6 = tpu.vector_load %arg12[%swap3A_5] {strides = array<i32>} : memref<128xf32, #tpu.memory_space<vmem>>, vector<16xf32>,
    tpu.vector_store %arg12[%swap3A_5], %broadcast_in_dim3A_1 {strides = array<i32>} : memref<128xf32, #tpu.memory_space<vmem>>, vector<16xf32>,
    %swap3A_7 = arith.constant 48 : index
    %swap3A_8 = tpu.vector_load %arg12[%swap3A_7] {strides = array<i32>} : memref<128xf32, #tpu.memory_space<vmem>>, vector<16xf32>,
    tpu.vector_store %arg12[%swap3A_7], %broadcast_in_dim3A_1 {strides = array<i32>} : memref<128xf32, #tpu.memory_space<vmem>>, vector<16xf32>,
    %swap3A_9 = arith.constant 64 : index
    %swap3A_10 = tpu.vector_load %arg12[%swap3A_9] {strides = array<i32>} : memref<128xf32, #tpu.memory_space<vmem>>, vector<16xf32>,
    tpu.vector_store %arg12[%swap3A_9], %broadcast_in_dim3A_1 {strides = array<i32>} : memref<128xf32, #tpu.memory_space<vmem>>, vector<16xf32>,
    %swap3A_11 = arith.constant 80 : index
    %swap3A_12 = tpu.vector_load %arg12[%swap3A_11] {strides = array<i32>} : memref<128xf32, #tpu.memory_space<vmem>>, vector<16xf32>,
    tpu.vector_store %arg12[%swap3A_11], %broadcast_in_dim3A_1 {strides = array<i32>} : memref<128xf32, #tpu.memory_space<vmem>>, vector<16xf32>,
    %swap3A_13 = arith.constant 96 : index
    %swap3A_14 = tpu.vector_load %arg12[%swap3A_13] {strides = array<i32>} : memref<128xf32, #tpu.memory_space<vmem>>, vector<16xf32>,
    tpu.vector_store %arg12[%swap3A_13], %broadcast_in_dim3A_1 {strides = array<i32>} : memref<128xf32, #tpu.memory_space<vmem>>, vector<16xf32>,
    %swap3A_15 = arith.constant 112 : index
    %swap3A_16 = tpu.vector_load %arg12[%swap3A_15] {strides = array<i32>} : memref<128xf32, #tpu.memory_space<vmem>>, vector<16xf32>,
    tpu.vector_store %arg12[%swap3A_15], %broadcast_in_dim3A_1 {strides = array<i32>} : memref<128xf32, #tpu.memory_space<vmem>>, vector<16xf32>,
    %broadcast_in_dim3A_17 = arith.constant 10000 : i32
    %broadcast_in_dim3A_18 = vector.broadcast %broadcast_in_dim3A_17 : i32 to vector<16xi32>
    %swap3A_19 = arith.constant 20000 : index
    %swap3A_20 = tpu.vector_load %arg10[%swap3A_19] {strides = array<i32>} : memref<20096xi32, #tpu.memory_space<vmem>>, vector<16xi32>,
    tpu.vector_store %arg10[%swap3A_19], %broadcast_in_dim3A_18 {strides = array<i32>} : memref<20096xi32, #tpu.memory_space<vmem>>, vector<16xi32>,
    %swap3A_21 = arith.constant 20016 : index
    %swap3A_22 = tpu.vector_load %arg10[%swap3A_21] {strides = array<i32>} : memref<20096xi32, #tpu.memory_space<vmem>>, vector<16xi32>,
    tpu.vector_store %arg10[%swap3A_21], %broadcast_in_dim3A_18 {strides = array<i32>} : memref<20096xi32, #tpu.memory_space<vmem>>, vector<16xi32>,
    %swap3A_23 = arith.constant 20032 : index
    %swap3A_24 = tpu.vector_load %arg10[%swap3A_23] {strides = array<i32>} : memref<20096xi32, #tpu.memory_space<vmem>>, vector<16xi32>,
    tpu.vector_store %arg10[%swap3A_23], %broadcast_in_dim3A_18 {strides = array<i32>} : memref<20096xi32, #tpu.memory_space<vmem>>, vector<16xi32>,
    %swap3A_25 = arith.constant 20048 : index
    %swap3A_26 = tpu.vector_load %arg10[%swap3A_25] {strides = array<i32>} : memref<20096xi32, #tpu.memory_space<vmem>>, vector<16xi32>,
    tpu.vector_store %arg10[%swap3A_25], %broadcast_in_dim3A_18 {strides = array<i32>} : memref<20096xi32, #tpu.memory_space<vmem>>, vector<16xi32>,
    %swap3A_27 = arith.constant 20064 : index
    %swap3A_28 = tpu.vector_load %arg10[%swap3A_27] {strides = array<i32>} : memref<20096xi32, #tpu.memory_space<vmem>>, vector<16xi32>,
    tpu.vector_store %arg10[%swap3A_27], %broadcast_in_dim3A_18 {strides = array<i32>} : memref<20096xi32, #tpu.memory_space<vmem>>, vector<16xi32>,
    %swap3A_29 = arith.constant 20080 : index
    %swap3A_30 = tpu.vector_load %arg10[%swap3A_29] {strides = array<i32>} : memref<20096xi32, #tpu.memory_space<vmem>>, vector<16xi32>,
    tpu.vector_store %arg10[%swap3A_29], %broadcast_in_dim3A_18 {strides = array<i32>} : memref<20096xi32, #tpu.memory_space<vmem>>, vector<16xi32>,
    %eq3A = arith.constant 0 : i32
    %eq3A_31 = arith.cmpi eq, %add3A, %eq3A : i32
    %convert_element_type3A = arith.extui %eq3A_31 : i1 to i32
    %cond3A = arith.constant 0 : i32
    %cond3A_32 = arith.cmpi ne, %convert_element_type3A, %cond3A : i32
    scf.if %cond3A_32 {
      %broadcast_in_dim3A_107 = arith.constant 0.000000e+00 : f32
      %broadcast_in_dim3A_108 = vector.broadcast %broadcast_in_dim3A_107 : f32 to vector<16xf32>
      %scan3A_109 = arith.constant 0 : i32
      %scan3A_110 = arith.constant 0 : i32
      %scan3A_111 = arith.constant 480 : i32
      %scan3A_112 = arith.addi %scan3A_110, %scan3A_111 : i32
      %scan3A_113 = arith.constant 1 : i32
      %scan3A_114 = scf.for %scan3A_116 = %scan3A_110 to %scan3A_112 step %scan3A_113 iter_args(%scan3A_117 = %scan3A_109) -> (i32)  : i32 {
        %mul3A_118 = arith.constant 16 : i32
        %mul3A_119 = arith.muli %scan3A_116, %mul3A_118 : i32
        %swap3A_120 = arith.index_cast %mul3A_119 : i32 to index
        %swap3A_121 = tpu.vector_load %arg21[%swap3A_120] {strides = array<i32>} : memref<7680xf32, #tpu.memory_space<vmem>>, vector<16xf32>,
        tpu.vector_store %arg21[%swap3A_120], %broadcast_in_dim3A_108 {strides = array<i32>} : memref<7680xf32, #tpu.memory_space<vmem>>, vector<16xf32>,
        %scan3A_122 = arith.constant 0 : i32
        scf.yield %scan3A_122 : i32
      }
      %scan3A_115 = arith.constant 480 : i32
      "tpu.region"() ({
        %run_scoped3A = tpu.sem_alloc : memref<!tpu.dma_semaphore, #tpu.memory_space<semaphore_mem>>
        %dma_start3A_116 = arith.constant 320000 : i32
        %dma_start3A_117 = tpu.memref_slice %arg6[%dma_start3A_116] : memref<327680xf32, #tpu.memory_space<hbm>> -> memref<7680xf32, #tpu.memory_space<hbm>>
        %dma_start3A_118 = arith.constant 320000 : i32
        %dma_start3A_119 = tpu.memref_slice %arg6[%dma_start3A_118] : memref<327680xf32, #tpu.memory_space<hbm>> -> memref<7680xf32, #tpu.memory_space<hbm>>
        tpu.enqueue_dma source(%arg21 : memref<7680xf32, #tpu.memory_space<vmem>>) target(%dma_start3A_119 : memref<7680xf32, #tpu.memory_space<hbm>>) target_semaphore(%run_scoped3A : memref<!tpu.dma_semaphore, #tpu.memory_space<semaphore_mem>>)
        %dma_wait3A_120 = arith.constant 320000 : i32
        %dma_wait3A_121 = tpu.memref_slice %arg6[%dma_wait3A_120] : memref<327680xf32, #tpu.memory_space<hbm>> -> memref<7680xf32, #tpu.memory_space<hbm>>
        %dma_wait3A_122 = arith.constant 320000 : i32
        %dma_wait3A_123 = tpu.memref_slice %arg6[%dma_wait3A_122] : memref<327680xf32, #tpu.memory_space<hbm>> -> memref<7680xf32, #tpu.memory_space<hbm>>
        tpu.wait_dma2 semaphore(%run_scoped3A : memref<!tpu.dma_semaphore, #tpu.memory_space<semaphore_mem>>) src(%arg21 : memref<7680xf32, #tpu.memory_space<vmem>>) dst(%dma_wait3A_123 : memref<7680xf32, #tpu.memory_space<hbm>>)
        tpu.yield
      }) : () -> ()
      "tpu.region"() ({
        %run_scoped3A = tpu.sem_alloc : memref<!tpu.dma_semaphore, #tpu.memory_space<semaphore_mem>>
        %dma_start3A_116 = arith.constant 320000 : i32
        %dma_start3A_117 = tpu.memref_slice %arg7[%dma_start3A_116] : memref<327680xf32, #tpu.memory_space<hbm>> -> memref<7680xf32, #tpu.memory_space<hbm>>
        %dma_start3A_118 = arith.constant 320000 : i32
        %dma_start3A_119 = tpu.memref_slice %arg7[%dma_start3A_118] : memref<327680xf32, #tpu.memory_space<hbm>> -> memref<7680xf32, #tpu.memory_space<hbm>>
        tpu.enqueue_dma source(%arg21 : memref<7680xf32, #tpu.memory_space<vmem>>) target(%dma_start3A_119 : memref<7680xf32, #tpu.memory_space<hbm>>) target_semaphore(%run_scoped3A : memref<!tpu.dma_semaphore, #tpu.memory_space<semaphore_mem>>)
        %dma_wait3A_120 = arith.constant 320000 : i32
        %dma_wait3A_121 = tpu.memref_slice %arg7[%dma_wait3A_120] : memref<327680xf32, #tpu.memory_space<hbm>> -> memref<7680xf32, #tpu.memory_space<hbm>>
        %dma_wait3A_122 = arith.constant 320000 : i32
        %dma_wait3A_123 = tpu.memref_slice %arg7[%dma_wait3A_122] : memref<327680xf32, #tpu.memory_space<hbm>> -> memref<7680xf32, #tpu.memory_space<hbm>>
        tpu.wait_dma2 semaphore(%run_scoped3A : memref<!tpu.dma_semaphore, #tpu.memory_space<semaphore_mem>>) src(%arg21 : memref<7680xf32, #tpu.memory_space<vmem>>) dst(%dma_wait3A_123 : memref<7680xf32, #tpu.memory_space<hbm>>)
        tpu.yield
      }) : () -> ()
      "tpu.region"() ({
        %run_scoped3A = tpu.sem_alloc : memref<!tpu.dma_semaphore, #tpu.memory_space<semaphore_mem>>
        %dma_start3A_116 = arith.constant 320000 : i32
        %dma_start3A_117 = tpu.memref_slice %arg8[%dma_start3A_116] : memref<327680xf32, #tpu.memory_space<hbm>> -> memref<7680xf32, #tpu.memory_space<hbm>>
        %dma_start3A_118 = arith.constant 320000 : i32
        %dma_start3A_119 = tpu.memref_slice %arg8[%dma_start3A_118] : memref<327680xf32, #tpu.memory_space<hbm>> -> memref<7680xf32, #tpu.memory_space<hbm>>
        tpu.enqueue_dma source(%arg21 : memref<7680xf32, #tpu.memory_space<vmem>>) target(%dma_start3A_119 : memref<7680xf32, #tpu.memory_space<hbm>>) target_semaphore(%run_scoped3A : memref<!tpu.dma_semaphore, #tpu.memory_space<semaphore_mem>>)
        %dma_wait3A_120 = arith.constant 320000 : i32
        %dma_wait3A_121 = tpu.memref_slice %arg8[%dma_wait3A_120] : memref<327680xf32, #tpu.memory_space<hbm>> -> memref<7680xf32, #tpu.memory_space<hbm>>
        %dma_wait3A_122 = arith.constant 320000 : i32
        %dma_wait3A_123 = tpu.memref_slice %arg8[%dma_wait3A_122] : memref<327680xf32, #tpu.memory_space<hbm>> -> memref<7680xf32, #tpu.memory_space<hbm>>
        tpu.wait_dma2 semaphore(%run_scoped3A : memref<!tpu.dma_semaphore, #tpu.memory_space<semaphore_mem>>) src(%arg21 : memref<7680xf32, #tpu.memory_space<vmem>>) dst(%dma_wait3A_123 : memref<7680xf32, #tpu.memory_space<hbm>>)
        tpu.yield
      }) : () -> ()
    } else {
    }
    %eq3A_33 = arith.constant 0 : i32
    %eq3A_34 = arith.cmpi eq, %arg1, %eq3A_33 : i32
    %convert_element_type3A_35 = arith.extui %eq3A_34 : i1 to i32
    %cond3A_36 = arith.constant 0 : i32
    %cond3A_37 = arith.cmpi ne, %convert_element_type3A_35, %cond3A_36 : i32
    scf.if %cond3A_37 {
      %broadcast_in_dim3A_107 = arith.constant 0.000000e+00 : f32
      %broadcast_in_dim3A_108 = vector.broadcast %broadcast_in_dim3A_107 : f32 to vector<16xf32>
      %scan3A_109 = arith.constant 0 : i32
      %scan3A_110 = arith.constant 0 : i32
      %scan3A_111 = arith.constant 626 : i32
      %scan3A_112 = arith.addi %scan3A_110, %scan3A_111 : i32
      %scan3A_113 = arith.constant 1 : i32
      %scan3A_114 = scf.for %scan3A_116 = %scan3A_110 to %scan3A_112 step %scan3A_113 iter_args(%scan3A_117 = %scan3A_109) -> (i32)  : i32 {
        %mul3A_118 = arith.constant 16 : i32
        %mul3A_119 = arith.muli %scan3A_116, %mul3A_118 : i32
        %swap3A_120 = arith.index_cast %mul3A_119 : i32 to index
        %swap3A_121 = tpu.vector_load %arg13[%swap3A_120] {strides = array<i32>} : memref<10016xf32, #tpu.memory_space<vmem>>, vector<16xf32>,
        tpu.vector_store %arg13[%swap3A_120], %broadcast_in_dim3A_108 {strides = array<i32>} : memref<10016xf32, #tpu.memory_space<vmem>>, vector<16xf32>,
        %scan3A_122 = arith.constant 0 : i32
        scf.yield %scan3A_122 : i32
      }
      %scan3A_115 = arith.constant 626 : i32
      "tpu.region"() ({
        %run_scoped3A = tpu.sem_alloc : memref<!tpu.dma_semaphore, #tpu.memory_space<semaphore_mem>>
        tpu.enqueue_dma source(%arg13 : memref<10016xf32, #tpu.memory_space<vmem>>) target(%arg9 : memref<10016xf32, #tpu.memory_space<vmem_shared>>) target_semaphore(%run_scoped3A : memref<!tpu.dma_semaphore, #tpu.memory_space<semaphore_mem>>)
        tpu.wait_dma2 semaphore(%run_scoped3A : memref<!tpu.dma_semaphore, #tpu.memory_space<semaphore_mem>>) src(%arg13 : memref<10016xf32, #tpu.memory_space<vmem>>) dst(%arg9 : memref<10016xf32, #tpu.memory_space<vmem_shared>>)
        tpu.yield
      }) : () -> ()
    } else {
    }
    %mul3A_38 = arith.constant 20000 : i32
    %mul3A_39 = arith.muli %arg1, %mul3A_38 : i32
    "tpu.region"() ({
      %run_scoped3A = tpu.sem_alloc : memref<!tpu.dma_semaphore, #tpu.memory_space<semaphore_mem>>
      %dma_start3A_107 = arith.constant 0 : i32
      %dma_start3A_108 = tpu.memref_slice %arg10[%dma_start3A_107] : memref<20096xi32, #tpu.memory_space<vmem>> -> memref<20000xi32, #tpu.memory_space<vmem>>
      %dma_start3A_109 = tpu.memref_slice %arg3[%mul3A_39] : memref<320000xi32, #tpu.memory_space<hbm>> -> memref<20000xi32, #tpu.memory_space<hbm>>
      %dma_start3A_110 = arith.constant 0 : i32
      %dma_start3A_111 = tpu.memref_slice %arg10[%dma_start3A_110] : memref<20096xi32, #tpu.memory_space<vmem>> -> memref<20000xi32, #tpu.memory_space<vmem>>
      %dma_start3A_112 = tpu.memref_slice %arg3[%mul3A_39] : memref<320000xi32, #tpu.memory_space<hbm>> -> memref<20000xi32, #tpu.memory_space<hbm>>
      tpu.enqueue_dma source(%dma_start3A_112 : memref<20000xi32, #tpu.memory_space<hbm>>) target(%dma_start3A_111 : memref<20000xi32, #tpu.memory_space<vmem>>) target_semaphore(%run_scoped3A : memref<!tpu.dma_semaphore, #tpu.memory_space<semaphore_mem>>)
      %dma_wait3A_113 = arith.constant 0 : i32
      %dma_wait3A_114 = tpu.memref_slice %arg10[%dma_wait3A_113] : memref<20096xi32, #tpu.memory_space<vmem>> -> memref<20000xi32, #tpu.memory_space<vmem>>
      %dma_wait3A_115 = tpu.memref_slice %arg3[%mul3A_39] : memref<320000xi32, #tpu.memory_space<hbm>> -> memref<20000xi32, #tpu.memory_space<hbm>>
      %dma_wait3A_116 = arith.constant 0 : i32
      %dma_wait3A_117 = tpu.memref_slice %arg10[%dma_wait3A_116] : memref<20096xi32, #tpu.memory_space<vmem>> -> memref<20000xi32, #tpu.memory_space<vmem>>
      %dma_wait3A_118 = tpu.memref_slice %arg3[%mul3A_39] : memref<320000xi32, #tpu.memory_space<hbm>> -> memref<20000xi32, #tpu.memory_space<hbm>>
      tpu.wait_dma2 semaphore(%run_scoped3A : memref<!tpu.dma_semaphore, #tpu.memory_space<semaphore_mem>>) src(%dma_wait3A_118 : memref<20000xi32, #tpu.memory_space<hbm>>) dst(%dma_wait3A_117 : memref<20000xi32, #tpu.memory_space<vmem>>)
      tpu.yield
    }) : () -> ()
    %parallel_loop3A = arith.constant 0 : i32
    %parallel_loop3A_40 = arith.constant 1256 : i32
    %parallel_loop3A_41 = arith.constant 1 : i32
    scf.for %parallel_loop3A_107 = %parallel_loop3A to %parallel_loop3A_40 step %parallel_loop3A_41  : i32 {
      %parallel_loop3A_108 = arith.constant 16 : i32
      %parallel_loop3A_109 = arith.muli %parallel_loop3A_107, %parallel_loop3A_108 : i32
      %parallel_loop3A_110 = arith.index_cast %parallel_loop3A_109 : i32 to index
      %parallel_loop3A_111 = tpu.vector_load %arg10[%parallel_loop3A_110] {strides = array<i32>} : memref<20096xi32, #tpu.memory_space<vmem>>, vector<16xi32>,
      %parallel_loop3A_112 = arith.constant 8 : i32
      %parallel_loop3A_113 = arith.divsi %parallel_loop3A_107, %parallel_loop3A_112 : i32
      %parallel_loop3A_114 = arith.constant 0 : i32
      %parallel_loop3A_115 = arith.cmpi sgt, %parallel_loop3A_107, %parallel_loop3A_114 : i32
      %parallel_loop3A_116 = arith.extui %parallel_loop3A_115 : i1 to i32
      %parallel_loop3A_117 = arith.constant 0 : i32
      %parallel_loop3A_118 = arith.cmpi slt, %parallel_loop3A_107, %parallel_loop3A_117 : i32
      %parallel_loop3A_119 = arith.extui %parallel_loop3A_118 : i1 to i32
      %parallel_loop3A_120 = arith.subi %parallel_loop3A_116, %parallel_loop3A_119 : i32
      %parallel_loop3A_121 = arith.constant 0 : i32
      %parallel_loop3A_122 = arith.cmpi sgt, %parallel_loop3A_112, %parallel_loop3A_121 : i32
      %parallel_loop3A_123 = arith.extui %parallel_loop3A_122 : i1 to i32
      %parallel_loop3A_124 = arith.constant 0 : i32
      %parallel_loop3A_125 = arith.cmpi slt, %parallel_loop3A_112, %parallel_loop3A_124 : i32
      %parallel_loop3A_126 = arith.extui %parallel_loop3A_125 : i1 to i32
      %parallel_loop3A_127 = arith.subi %parallel_loop3A_123, %parallel_loop3A_126 : i32
      %parallel_loop3A_128 = arith.cmpi ne, %parallel_loop3A_120, %parallel_loop3A_127 : i32
      %parallel_loop3A_129 = arith.remsi %parallel_loop3A_107, %parallel_loop3A_112 : i32
      %parallel_loop3A_130 = arith.constant 0 : i32
      %parallel_loop3A_131 = arith.cmpi ne, %parallel_loop3A_129, %parallel_loop3A_130 : i32
      %parallel_loop3A_132 = arith.andi %parallel_loop3A_128, %parallel_loop3A_131 : i1
      %parallel_loop3A_133 = arith.constant 1 : i32
      %parallel_loop3A_134 = arith.subi %parallel_loop3A_113, %parallel_loop3A_133 : i32
      %parallel_loop3A_135 = arith.select %parallel_loop3A_132, %parallel_loop3A_134, %parallel_loop3A_113 : i32
      %parallel_loop3A_136 = arith.constant 8 : i32
      %parallel_loop3A_137 = arith.constant 0 : i32
      %parallel_loop3A_138 = arith.cmpi eq, %parallel_loop3A_136, %parallel_loop3A_137 : i32
      %parallel_loop3A_139 = arith.constant 1 : i32
      %parallel_loop3A_140 = arith.select %parallel_loop3A_138, %parallel_loop3A_139, %parallel_loop3A_136 : i32
      %parallel_loop3A_141 = arith.remsi %parallel_loop3A_107, %parallel_loop3A_140 : i32
      %parallel_loop3A_142 = arith.constant 0 : i32
      %parallel_loop3A_143 = arith.cmpi ne, %parallel_loop3A_141, %parallel_loop3A_142 : i32
      %parallel_loop3A_144 = arith.constant 0 : i32
      %parallel_loop3A_145 = arith.cmpi slt, %parallel_loop3A_141, %parallel_loop3A_144 : i32
      %parallel_loop3A_146 = arith.constant 0 : i32
      %parallel_loop3A_147 = arith.cmpi slt, %parallel_loop3A_140, %parallel_loop3A_146 : i32
      %parallel_loop3A_148 = arith.xori %parallel_loop3A_145, %parallel_loop3A_147 : i1
      %parallel_loop3A_149 = arith.andi %parallel_loop3A_148, %parallel_loop3A_143 : i1
      %parallel_loop3A_150 = arith.addi %parallel_loop3A_141, %parallel_loop3A_140 : i32
      %parallel_loop3A_151 = arith.select %parallel_loop3A_149, %parallel_loop3A_150, %parallel_loop3A_141 : i32
      %parallel_loop3A_152 = arith.constant 16 : i32
      %parallel_loop3A_153 = arith.muli %parallel_loop3A_151, %parallel_loop3A_152 : i32
      %parallel_loop3A_154 = arith.index_cast %parallel_loop3A_135 : i32 to index
      %parallel_loop3A_155 = arith.index_cast %parallel_loop3A_153 : i32 to index
      %parallel_loop3A_156 = tpu.vector_load %arg11[%parallel_loop3A_154, %parallel_loop3A_155] {strides = array<i32>} : memref<157x128xi32, #tpu.memory_space<vmem>>, vector<16xi32>,
      tpu.vector_store %arg11[%parallel_loop3A_154, %parallel_loop3A_155], %parallel_loop3A_111 {strides = array<i32>} : memref<157x128xi32, #tpu.memory_space<vmem>>, vector<16xi32>,
    } {sc.loop_unroll_factor = 8 : i64, sc.parallel_access}
    %barrier3A = arith.constant 0 : index
    tpu.barrier barrier_id(%barrier3A)
    %scan3A = arith.constant 0 : i32
    %scan3A_42 = arith.constant 0 : i32
    %scan3A_43 = arith.constant 157 : i32
    %scan3A_44 = arith.addi %scan3A_42, %scan3A_43 : i32
    %scan3A_45 = arith.constant 1 : i32
    %scan3A_46 = scf.for %scan3A_107 = %scan3A_42 to %scan3A_44 step %scan3A_45 iter_args(%scan3A_108 = %scan3A) -> (i32)  : i32 {
      %dma_start3A_109 = arith.constant 0 : i32
      %dma_start3A_110 = tpu.memref_slice %arg11[%scan3A_107, %dma_start3A_109] : memref<157x128xi32, #tpu.memory_space<vmem>> -> memref<1x128xi32, #tpu.memory_space<vmem>>
      %dma_start3A_111 = tpu.memref_squeeze %dma_start3A_110 : memref<1x128xi32, #tpu.memory_space<vmem>> -> memref<128xi32, #tpu.memory_space<vmem>>
      %dma_start3A_112 = arith.constant 0 : i32
      %dma_start3A_113 = tpu.memref_slice %arg9[%dma_start3A_112] : memref<10016xf32, #tpu.memory_space<vmem_shared>> -> memref<10016xf32, #tpu.memory_space<vmem_shared>>
      tpu.enqueue_indirect_dma source(%arg12 : memref<128xf32, #tpu.memory_space<vmem>>) target(%dma_start3A_113 : memref<10016xf32, #tpu.memory_space<vmem_shared>>) offsets(%dma_start3A_111 : memref<128xi32, #tpu.memory_space<vmem>>) semaphore(%arg22 : memref<!tpu.dma_semaphore, #tpu.memory_space<semaphore_mem>>) {add = true}
      %ge3A = arith.constant 16 : i32
      %ge3A_114 = arith.cmpi sge, %scan3A_107, %ge3A : i32
      %convert_element_type3A_115 = arith.extui %ge3A_114 : i1 to i32
      %cond3A_116 = arith.constant 0 : i32
      %cond3A_117 = arith.cmpi ne, %convert_element_type3A_115, %cond3A_116 : i32
      scf.if %cond3A_117 {
        %dma_wait3A_119 = arith.constant 0 : i32
        %dma_wait3A_120 = arith.constant 0 : i32
        %dma_wait3A_121 = tpu.memref_slice %arg11[%dma_wait3A_119, %dma_wait3A_120] : memref<157x128xi32, #tpu.memory_space<vmem>> -> memref<1x128xi32, #tpu.memory_space<vmem>>
        %dma_wait3A_122 = tpu.memref_squeeze %dma_wait3A_121 : memref<1x128xi32, #tpu.memory_space<vmem>> -> memref<128xi32, #tpu.memory_space<vmem>>
        %dma_wait3A_123 = arith.constant 0 : i32
        %dma_wait3A_124 = tpu.memref_slice %arg9[%dma_wait3A_123] : memref<10016xf32, #tpu.memory_space<vmem_shared>> -> memref<10016xf32, #tpu.memory_space<vmem_shared>>
        tpu.wait_indirect_dma semaphore(%arg22 : memref<!tpu.dma_semaphore, #tpu.memory_space<semaphore_mem>>) src(%arg12 : memref<128xf32, #tpu.memory_space<vmem>>) dst(%dma_wait3A_124 : memref<10016xf32, #tpu.memory_space<vmem_shared>>)
      } else {
      }
      %scan3A_118 = arith.constant 0 : i32
      scf.yield %scan3A_118 : i32
    }
    %scan3A_47 = arith.constant 157 : i32
    %scan3A_48 = arith.constant 0 : i32
    %scan3A_49 = arith.constant 0 : i32
    %scan3A_50 = arith.constant 16 : i32
    %scan3A_51 = arith.addi %scan3A_49, %scan3A_50 : i32
    %scan3A_52 = arith.constant 1 : i32
    %scan3A_53 = scf.for %scan3A_107 = %scan3A_49 to %scan3A_51 step %scan3A_52 iter_args(%scan3A_108 = %scan3A_48) -> (i32)  : i32 {
      %dma_wait3A_109 = arith.constant 0 : i32
      %dma_wait3A_110 = arith.constant 0 : i32
      %dma_wait3A_111 = tpu.memref_slice %arg11[%dma_wait3A_109, %dma_wait3A_110] : memref<157x128xi32, #tpu.memory_space<vmem>> -> memref<1x128xi32, #tpu.memory_space<vmem>>
      %dma_wait3A_112 = tpu.memref_squeeze %dma_wait3A_111 : memref<1x128xi32, #tpu.memory_space<vmem>> -> memref<128xi32, #tpu.memory_space<vmem>>
      %dma_wait3A_113 = arith.constant 0 : i32
      %dma_wait3A_114 = tpu.memref_slice %arg9[%dma_wait3A_113] : memref<10016xf32, #tpu.memory_space<vmem_shared>> -> memref<10016xf32, #tpu.memory_space<vmem_shared>>
      tpu.wait_indirect_dma semaphore(%arg22 : memref<!tpu.dma_semaphore, #tpu.memory_space<semaphore_mem>>) src(%arg12 : memref<128xf32, #tpu.memory_space<vmem>>) dst(%dma_wait3A_114 : memref<10016xf32, #tpu.memory_space<vmem_shared>>)
      %scan3A_115 = arith.constant 0 : i32
      scf.yield %scan3A_115 : i32
    }
    %scan3A_54 = arith.constant 16 : i32
    %barrier3A_55 = arith.constant 0 : index
    tpu.barrier barrier_id(%barrier3A_55)
    "tpu.region"() ({
      %run_scoped3A = tpu.sem_alloc : memref<!tpu.dma_semaphore, #tpu.memory_space<semaphore_mem>>
      tpu.enqueue_dma source(%arg9 : memref<10016xf32, #tpu.memory_space<vmem_shared>>) target(%arg13 : memref<10016xf32, #tpu.memory_space<vmem>>) target_semaphore(%run_scoped3A : memref<!tpu.dma_semaphore, #tpu.memory_space<semaphore_mem>>)
      tpu.wait_dma2 semaphore(%run_scoped3A : memref<!tpu.dma_semaphore, #tpu.memory_space<semaphore_mem>>) src(%arg9 : memref<10016xf32, #tpu.memory_space<vmem_shared>>) dst(%arg13 : memref<10016xf32, #tpu.memory_space<vmem>>)
      tpu.yield
    }) : () -> ()
    %parallel_loop3A_56 = arith.constant 0 : i32
    %parallel_loop3A_57 = arith.constant 626 : i32
    %parallel_loop3A_58 = arith.constant 1 : i32
    scf.for %parallel_loop3A_107 = %parallel_loop3A_56 to %parallel_loop3A_57 step %parallel_loop3A_58  : i32 {
      %parallel_loop3A_108 = arith.constant 16 : i32
      %parallel_loop3A_109 = arith.muli %parallel_loop3A_107, %parallel_loop3A_108 : i32
      %parallel_loop3A_110 = arith.index_cast %parallel_loop3A_109 : i32 to index
      %parallel_loop3A_111 = tpu.vector_load %arg13[%parallel_loop3A_110] {strides = array<i32>} : memref<10016xf32, #tpu.memory_space<vmem>>, vector<16xf32>,
      %parallel_loop3A_112 = arith.constant 1.000000e+00 : f32
      %parallel_loop3A_113 = vector.broadcast %parallel_loop3A_112 : f32 to vector<16xf32>
      %parallel_loop3A_114 = arith.maximumf %parallel_loop3A_111, %parallel_loop3A_113 : vector<16xf32>
      %parallel_loop3A_115 = arith.constant 1.000000e+00 : f32
      %parallel_loop3A_116 = vector.broadcast %parallel_loop3A_115 : f32 to vector<16xf32>
      %parallel_loop3A_117 = arith.divf %parallel_loop3A_116, %parallel_loop3A_114 : vector<16xf32>
      %parallel_loop3A_118 = arith.constant 16 : i32
      %parallel_loop3A_119 = arith.muli %parallel_loop3A_107, %parallel_loop3A_118 : i32
      %parallel_loop3A_120 = arith.index_cast %parallel_loop3A_119 : i32 to index
      %parallel_loop3A_121 = tpu.vector_load %arg13[%parallel_loop3A_120] {strides = array<i32>} : memref<10016xf32, #tpu.memory_space<vmem>>, vector<16xf32>,
      tpu.vector_store %arg13[%parallel_loop3A_120], %parallel_loop3A_117 {strides = array<i32>} : memref<10016xf32, #tpu.memory_space<vmem>>, vector<16xf32>,
    } {sc.loop_unroll_factor = 4 : i64, sc.parallel_access}
    "tpu.region"() ({
      %run_scoped3A = tpu.sem_alloc : memref<!tpu.dma_semaphore, #tpu.memory_space<semaphore_mem>>
      tpu.enqueue_dma source(%arg4 : memref<10000xi32, #tpu.memory_space<hbm>>) target(%arg14 : memref<10000xi32, #tpu.memory_space<vmem>>) target_semaphore(%run_scoped3A : memref<!tpu.dma_semaphore, #tpu.memory_space<semaphore_mem>>)
      tpu.wait_dma2 semaphore(%run_scoped3A : memref<!tpu.dma_semaphore, #tpu.memory_space<semaphore_mem>>) src(%arg4 : memref<10000xi32, #tpu.memory_space<hbm>>) dst(%arg14 : memref<10000xi32, #tpu.memory_space<vmem>>)
      tpu.yield
    }) : () -> ()
    "tpu.region"() ({
      %run_scoped3A = tpu.sem_alloc : memref<!tpu.dma_semaphore, #tpu.memory_space<semaphore_mem>>
      tpu.enqueue_dma source(%arg5 : memref<10000xi32, #tpu.memory_space<hbm>>) target(%arg15 : memref<10000xi32, #tpu.memory_space<vmem>>) target_semaphore(%run_scoped3A : memref<!tpu.dma_semaphore, #tpu.memory_space<semaphore_mem>>)
      tpu.wait_dma2 semaphore(%run_scoped3A : memref<!tpu.dma_semaphore, #tpu.memory_space<semaphore_mem>>) src(%arg5 : memref<10000xi32, #tpu.memory_space<hbm>>) dst(%arg15 : memref<10000xi32, #tpu.memory_space<vmem>>)
      tpu.yield
    }) : () -> ()
    %rem3A = arith.constant 0 : i32
    %rem3A_59 = arith.constant 2 : i32
    %rem3A_60 = arith.remsi %rem3A, %rem3A_59 : i32
    %mul3A_61 = arith.constant 10000 : i32
    %mul3A_62 = arith.muli %add3A, %mul3A_61 : i32
    %add3A_63 = arith.constant 0 : i32
    %add3A_64 = arith.addi %mul3A_62, %add3A_63 : i32
    %mul3A_65 = arith.constant 2000 : i32
    %mul3A_66 = arith.muli %rem3A_60, %mul3A_65 : i32
    %mul3A_67 = arith.constant 2000 : i32
    %mul3A_68 = arith.muli %rem3A_60, %mul3A_67 : i32
    %dma_start3A = tpu.memref_slice %arg16[%mul3A_66] : memref<4000xi32, #tpu.memory_space<vmem>> -> memref<2000xi32, #tpu.memory_space<vmem>>
    %dma_start3A_69 = tpu.memref_slice %arg2[%add3A_64] : memref<320000xi32, #tpu.memory_space<hbm>> -> memref<2000xi32, #tpu.memory_space<hbm>>
    %dma_start3A_70 = tpu.memref_slice %arg16[%mul3A_66] : memref<4000xi32, #tpu.memory_space<vmem>> -> memref<2000xi32, #tpu.memory_space<vmem>>
    %dma_start3A_71 = tpu.memref_slice %arg2[%add3A_64] : memref<320000xi32, #tpu.memory_space<hbm>> -> memref<2000xi32, #tpu.memory_space<hbm>>
    tpu.enqueue_dma source(%dma_start3A_71 : memref<2000xi32, #tpu.memory_space<hbm>>) target(%dma_start3A_70 : memref<2000xi32, #tpu.memory_space<vmem>>) target_semaphore(%arg23 : memref<!tpu.dma_semaphore, #tpu.memory_space<semaphore_mem>>)
    %dma_start3A_72 = tpu.memref_slice %arg17[%mul3A_68] : memref<4000xi32, #tpu.memory_space<vmem>> -> memref<2000xi32, #tpu.memory_space<vmem>>
    %dma_start3A_73 = tpu.memref_slice %arg3[%add3A_64] : memref<320000xi32, #tpu.memory_space<hbm>> -> memref<2000xi32, #tpu.memory_space<hbm>>
    %dma_start3A_74 = tpu.memref_slice %arg17[%mul3A_68] : memref<4000xi32, #tpu.memory_space<vmem>> -> memref<2000xi32, #tpu.memory_space<vmem>>
    %dma_start3A_75 = tpu.memref_slice %arg3[%add3A_64] : memref<320000xi32, #tpu.memory_space<hbm>> -> memref<2000xi32, #tpu.memory_space<hbm>>
    tpu.enqueue_dma source(%dma_start3A_75 : memref<2000xi32, #tpu.memory_space<hbm>>) target(%dma_start3A_74 : memref<2000xi32, #tpu.memory_space<vmem>>) target_semaphore(%arg23 : memref<!tpu.dma_semaphore, #tpu.memory_space<semaphore_mem>>)
    %scan3A_76 = arith.constant 0 : i32
    %scan3A_77 = arith.constant 0 : i32
    %scan3A_78 = arith.constant 5 : i32
    %scan3A_79 = arith.addi %scan3A_77, %scan3A_78 : i32
    %scan3A_80 = arith.constant 1 : i32
    %scan3A_81 = scf.for %scan3A_107 = %scan3A_77 to %scan3A_79 step %scan3A_80 iter_args(%scan3A_108 = %scan3A_76) -> (i32)  : i32 {
      %rem3A_109 = arith.constant 2 : i32
      %rem3A_110 = arith.remsi %scan3A_107, %rem3A_109 : i32
      %mul3A_111 = arith.constant 2000 : i32
      %mul3A_112 = arith.muli %rem3A_110, %mul3A_111 : i32
      %rem3A_113 = arith.constant 2 : i32
      %rem3A_114 = arith.remsi %scan3A_107, %rem3A_113 : i32
      %mul3A_115 = arith.constant 10000 : i32
      %mul3A_116 = arith.muli %add3A, %mul3A_115 : i32
      %mul3A_117 = arith.constant 2000 : i32
      %mul3A_118 = arith.muli %scan3A_107, %mul3A_117 : i32
      %add3A_119 = arith.addi %mul3A_116, %mul3A_118 : i32
      %mul3A_120 = arith.constant 2000 : i32
      %mul3A_121 = arith.muli %rem3A_114, %mul3A_120 : i32
      %mul3A_122 = arith.constant 2000 : i32
      %mul3A_123 = arith.muli %rem3A_114, %mul3A_122 : i32
      %dma_wait3A_124 = tpu.memref_slice %arg16[%mul3A_121] : memref<4000xi32, #tpu.memory_space<vmem>> -> memref<2000xi32, #tpu.memory_space<vmem>>
      %dma_wait3A_125 = tpu.memref_slice %arg2[%add3A_119] : memref<320000xi32, #tpu.memory_space<hbm>> -> memref<2000xi32, #tpu.memory_space<hbm>>
      %dma_wait3A_126 = tpu.memref_slice %arg16[%mul3A_121] : memref<4000xi32, #tpu.memory_space<vmem>> -> memref<2000xi32, #tpu.memory_space<vmem>>
      %dma_wait3A_127 = tpu.memref_slice %arg2[%add3A_119] : memref<320000xi32, #tpu.memory_space<hbm>> -> memref<2000xi32, #tpu.memory_space<hbm>>
      tpu.wait_dma2 semaphore(%arg23 : memref<!tpu.dma_semaphore, #tpu.memory_space<semaphore_mem>>) src(%dma_wait3A_127 : memref<2000xi32, #tpu.memory_space<hbm>>) dst(%dma_wait3A_126 : memref<2000xi32, #tpu.memory_space<vmem>>)
      %dma_wait3A_128 = tpu.memref_slice %arg17[%mul3A_123] : memref<4000xi32, #tpu.memory_space<vmem>> -> memref<2000xi32, #tpu.memory_space<vmem>>
      %dma_wait3A_129 = tpu.memref_slice %arg3[%add3A_119] : memref<320000xi32, #tpu.memory_space<hbm>> -> memref<2000xi32, #tpu.memory_space<hbm>>
      %dma_wait3A_130 = tpu.memref_slice %arg17[%mul3A_123] : memref<4000xi32, #tpu.memory_space<vmem>> -> memref<2000xi32, #tpu.memory_space<vmem>>
      %dma_wait3A_131 = tpu.memref_slice %arg3[%add3A_119] : memref<320000xi32, #tpu.memory_space<hbm>> -> memref<2000xi32, #tpu.memory_space<hbm>>
      tpu.wait_dma2 semaphore(%arg23 : memref<!tpu.dma_semaphore, #tpu.memory_space<semaphore_mem>>) src(%dma_wait3A_131 : memref<2000xi32, #tpu.memory_space<hbm>>) dst(%dma_wait3A_130 : memref<2000xi32, #tpu.memory_space<vmem>>)
      %ge3A = arith.constant 1 : i32
      %ge3A_132 = arith.cmpi sge, %scan3A_107, %ge3A : i32
      %convert_element_type3A_133 = arith.extui %ge3A_132 : i1 to i32
      %cond3A_134 = arith.constant 0 : i32
      %cond3A_135 = arith.cmpi ne, %convert_element_type3A_133, %cond3A_134 : i32
      scf.if %cond3A_135 {
        %sub3A = arith.constant 1 : i32
        %sub3A_171 = arith.subi %scan3A_107, %sub3A : i32
        %rem3A_172 = arith.constant 2 : i32
        %rem3A_173 = arith.remsi %sub3A_171, %rem3A_172 : i32
        %mul3A_174 = arith.constant 10000 : i32
        %mul3A_175 = arith.muli %add3A, %mul3A_174 : i32
        %mul3A_176 = arith.constant 2000 : i32
        %mul3A_177 = arith.muli %sub3A_171, %mul3A_176 : i32
        %add3A_178 = arith.addi %mul3A_175, %mul3A_177 : i32
        %mul3A_179 = arith.constant 2000 : i32
        %mul3A_180 = arith.muli %rem3A_173, %mul3A_179 : i32
        %mul3A_181 = arith.constant 2000 : i32
        %mul3A_182 = arith.muli %rem3A_173, %mul3A_181 : i32
        %mul3A_183 = arith.constant 2000 : i32
        %mul3A_184 = arith.muli %rem3A_173, %mul3A_183 : i32
        %dma_wait3A_185 = tpu.memref_slice %arg18[%mul3A_180] : memref<4000xf32, #tpu.memory_space<vmem>> -> memref<2000xf32, #tpu.memory_space<vmem>>
        %dma_wait3A_186 = tpu.memref_slice %arg6[%add3A_178] : memref<327680xf32, #tpu.memory_space<hbm>> -> memref<2000xf32, #tpu.memory_space<hbm>>
        %dma_wait3A_187 = tpu.memref_slice %arg6[%add3A_178] : memref<327680xf32, #tpu.memory_space<hbm>> -> memref<2000xf32, #tpu.memory_space<hbm>>
        %dma_wait3A_188 = tpu.memref_slice %arg18[%mul3A_180] : memref<4000xf32, #tpu.memory_space<vmem>> -> memref<2000xf32, #tpu.memory_space<vmem>>
        tpu.wait_dma2 semaphore(%arg24 : memref<!tpu.dma_semaphore, #tpu.memory_space<semaphore_mem>>) src(%dma_wait3A_188 : memref<2000xf32, #tpu.memory_space<vmem>>) dst(%dma_wait3A_187 : memref<2000xf32, #tpu.memory_space<hbm>>)
        %dma_wait3A_189 = tpu.memref_slice %arg19[%mul3A_182] : memref<4000xf32, #tpu.memory_space<vmem>> -> memref<2000xf32, #tpu.memory_space<vmem>>
        %dma_wait3A_190 = tpu.memref_slice %arg7[%add3A_178] : memref<327680xf32, #tpu.memory_space<hbm>> -> memref<2000xf32, #tpu.memory_space<hbm>>
        %dma_wait3A_191 = tpu.memref_slice %arg7[%add3A_178] : memref<327680xf32, #tpu.memory_space<hbm>> -> memref<2000xf32, #tpu.memory_space<hbm>>
        %dma_wait3A_192 = tpu.memref_slice %arg19[%mul3A_182] : memref<4000xf32, #tpu.memory_space<vmem>> -> memref<2000xf32, #tpu.memory_space<vmem>>
        tpu.wait_dma2 semaphore(%arg24 : memref<!tpu.dma_semaphore, #tpu.memory_space<semaphore_mem>>) src(%dma_wait3A_192 : memref<2000xf32, #tpu.memory_space<vmem>>) dst(%dma_wait3A_191 : memref<2000xf32, #tpu.memory_space<hbm>>)
        %dma_wait3A_193 = tpu.memref_slice %arg20[%mul3A_184] : memref<4000xf32, #tpu.memory_space<vmem>> -> memref<2000xf32, #tpu.memory_space<vmem>>
        %dma_wait3A_194 = tpu.memref_slice %arg8[%add3A_178] : memref<327680xf32, #tpu.memory_space<hbm>> -> memref<2000xf32, #tpu.memory_space<hbm>>
        %dma_wait3A_195 = tpu.memref_slice %arg8[%add3A_178] : memref<327680xf32, #tpu.memory_space<hbm>> -> memref<2000xf32, #tpu.memory_space<hbm>>
        %dma_wait3A_196 = tpu.memref_slice %arg20[%mul3A_184] : memref<4000xf32, #tpu.memory_space<vmem>> -> memref<2000xf32, #tpu.memory_space<vmem>>
        tpu.wait_dma2 semaphore(%arg24 : memref<!tpu.dma_semaphore, #tpu.memory_space<semaphore_mem>>) src(%dma_wait3A_196 : memref<2000xf32, #tpu.memory_space<vmem>>) dst(%dma_wait3A_195 : memref<2000xf32, #tpu.memory_space<hbm>>)
      } else {
      }
      %add3A_136 = arith.constant 1 : i32
      %add3A_137 = arith.addi %scan3A_107, %add3A_136 : i32
      %lt3A = arith.constant 5 : i32
      %lt3A_138 = arith.cmpi slt, %add3A_137, %lt3A : i32
      %convert_element_type3A_139 = arith.extui %lt3A_138 : i1 to i32
      %cond3A_140 = arith.constant 0 : i32
      %cond3A_141 = arith.cmpi ne, %convert_element_type3A_139, %cond3A_140 : i32
      scf.if %cond3A_141 {
        %add3A_171 = arith.constant 1 : i32
        %add3A_172 = arith.addi %scan3A_107, %add3A_171 : i32
        %rem3A_173 = arith.constant 2 : i32
        %rem3A_174 = arith.remsi %add3A_172, %rem3A_173 : i32
        %mul3A_175 = arith.constant 10000 : i32
        %mul3A_176 = arith.muli %add3A, %mul3A_175 : i32
        %mul3A_177 = arith.constant 2000 : i32
        %mul3A_178 = arith.muli %add3A_172, %mul3A_177 : i32
        %add3A_179 = arith.addi %mul3A_176, %mul3A_178 : i32
        %mul3A_180 = arith.constant 2000 : i32
        %mul3A_181 = arith.muli %rem3A_174, %mul3A_180 : i32
        %mul3A_182 = arith.constant 2000 : i32
        %mul3A_183 = arith.muli %rem3A_174, %mul3A_182 : i32
        %dma_start3A_184 = tpu.memref_slice %arg16[%mul3A_181] : memref<4000xi32, #tpu.memory_space<vmem>> -> memref<2000xi32, #tpu.memory_space<vmem>>
        %dma_start3A_185 = tpu.memref_slice %arg2[%add3A_179] : memref<320000xi32, #tpu.memory_space<hbm>> -> memref<2000xi32, #tpu.memory_space<hbm>>
        %dma_start3A_186 = tpu.memref_slice %arg16[%mul3A_181] : memref<4000xi32, #tpu.memory_space<vmem>> -> memref<2000xi32, #tpu.memory_space<vmem>>
        %dma_start3A_187 = tpu.memref_slice %arg2[%add3A_179] : memref<320000xi32, #tpu.memory_space<hbm>> -> memref<2000xi32, #tpu.memory_space<hbm>>
        tpu.enqueue_dma source(%dma_start3A_187 : memref<2000xi32, #tpu.memory_space<hbm>>) target(%dma_start3A_186 : memref<2000xi32, #tpu.memory_space<vmem>>) target_semaphore(%arg23 : memref<!tpu.dma_semaphore, #tpu.memory_space<semaphore_mem>>)
        %dma_start3A_188 = tpu.memref_slice %arg17[%mul3A_183] : memref<4000xi32, #tpu.memory_space<vmem>> -> memref<2000xi32, #tpu.memory_space<vmem>>
        %dma_start3A_189 = tpu.memref_slice %arg3[%add3A_179] : memref<320000xi32, #tpu.memory_space<hbm>> -> memref<2000xi32, #tpu.memory_space<hbm>>
        %dma_start3A_190 = tpu.memref_slice %arg17[%mul3A_183] : memref<4000xi32, #tpu.memory_space<vmem>> -> memref<2000xi32, #tpu.memory_space<vmem>>
        %dma_start3A_191 = tpu.memref_slice %arg3[%add3A_179] : memref<320000xi32, #tpu.memory_space<hbm>> -> memref<2000xi32, #tpu.memory_space<hbm>>
        tpu.enqueue_dma source(%dma_start3A_191 : memref<2000xi32, #tpu.memory_space<hbm>>) target(%dma_start3A_190 : memref<2000xi32, #tpu.memory_space<vmem>>) target_semaphore(%arg23 : memref<!tpu.dma_semaphore, #tpu.memory_space<semaphore_mem>>)
      } else {
      }
      %parallel_loop3A_142 = arith.constant 0 : i32
      %parallel_loop3A_143 = arith.constant 125 : i32
      %parallel_loop3A_144 = arith.constant 1 : i32
      scf.for %parallel_loop3A_171 = %parallel_loop3A_142 to %parallel_loop3A_143 step %parallel_loop3A_144  : i32 {
        %parallel_loop3A_172 = arith.constant 16 : i32
        %parallel_loop3A_173 = arith.muli %parallel_loop3A_171, %parallel_loop3A_172 : i32
        %parallel_loop3A_174 = arith.addi %mul3A_112, %parallel_loop3A_173 : i32
        %parallel_loop3A_175 = arith.index_cast %parallel_loop3A_174 : i32 to index
        %parallel_loop3A_176 = tpu.vector_load %arg16[%parallel_loop3A_175] {strides = array<i32>} : memref<4000xi32, #tpu.memory_space<vmem>>, vector<16xi32>,
        %parallel_loop3A_177 = arith.index_cast %parallel_loop3A_174 : i32 to index
        %parallel_loop3A_178 = tpu.vector_load %arg17[%parallel_loop3A_177] {strides = array<i32>} : memref<4000xi32, #tpu.memory_space<vmem>>, vector<16xi32>,
        %parallel_loop3A_179 = tpu.vector_load_idx %arg14[%parallel_loop3A_176] : memref<10000xi32, #tpu.memory_space<vmem>>[vector<16xi32>], vector<16xi32>,
        %parallel_loop3A_180 = tpu.vector_load_idx %arg15[%parallel_loop3A_178] : memref<10000xi32, #tpu.memory_space<vmem>>[vector<16xi32>], vector<16xi32>,
        %parallel_loop3A_181 = tpu.vector_load_idx %arg13[%parallel_loop3A_178] : memref<10016xf32, #tpu.memory_space<vmem>>[vector<16xi32>], vector<16xf32>,
        %parallel_loop3A_182 = arith.sitofp %parallel_loop3A_179 : vector<16xi32> to vector<16xf32>
        %parallel_loop3A_183 = arith.index_cast %parallel_loop3A_174 : i32 to index
        %parallel_loop3A_184 = tpu.vector_load %arg18[%parallel_loop3A_183] {strides = array<i32>} : memref<4000xf32, #tpu.memory_space<vmem>>, vector<16xf32>,
        tpu.vector_store %arg18[%parallel_loop3A_183], %parallel_loop3A_182 {strides = array<i32>} : memref<4000xf32, #tpu.memory_space<vmem>>, vector<16xf32>,
        %parallel_loop3A_185 = arith.sitofp %parallel_loop3A_180 : vector<16xi32> to vector<16xf32>
        %parallel_loop3A_186 = arith.index_cast %parallel_loop3A_174 : i32 to index
        %parallel_loop3A_187 = tpu.vector_load %arg19[%parallel_loop3A_186] {strides = array<i32>} : memref<4000xf32, #tpu.memory_space<vmem>>, vector<16xf32>,
        tpu.vector_store %arg19[%parallel_loop3A_186], %parallel_loop3A_185 {strides = array<i32>} : memref<4000xf32, #tpu.memory_space<vmem>>, vector<16xf32>,
        %parallel_loop3A_188 = arith.index_cast %parallel_loop3A_174 : i32 to index
        %parallel_loop3A_189 = tpu.vector_load %arg20[%parallel_loop3A_188] {strides = array<i32>} : memref<4000xf32, #tpu.memory_space<vmem>>, vector<16xf32>,
        tpu.vector_store %arg20[%parallel_loop3A_188], %parallel_loop3A_181 {strides = array<i32>} : memref<4000xf32, #tpu.memory_space<vmem>>, vector<16xf32>,
      } {sc.loop_unroll_factor = 4 : i64, sc.parallel_access}
      %rem3A_145 = arith.constant 2 : i32
      %rem3A_146 = arith.remsi %scan3A_107, %rem3A_145 : i32
      %mul3A_147 = arith.constant 10000 : i32
      %mul3A_148 = arith.muli %add3A, %mul3A_147 : i32
      %mul3A_149 = arith.constant 2000 : i32
      %mul3A_150 = arith.muli %scan3A_107, %mul3A_149 : i32
      %add3A_151 = arith.addi %mul3A_148, %mul3A_150 : i32
      %mul3A_152 = arith.constant 2000 : i32
      %mul3A_153 = arith.muli %rem3A_146, %mul3A_152 : i32
      %mul3A_154 = arith.constant 2000 : i32
      %mul3A_155 = arith.muli %rem3A_146, %mul3A_154 : i32
      %mul3A_156 = arith.constant 2000 : i32
      %mul3A_157 = arith.muli %rem3A_146, %mul3A_156 : i32
      %dma_start3A_158 = tpu.memref_slice %arg18[%mul3A_153] : memref<4000xf32, #tpu.memory_space<vmem>> -> memref<2000xf32, #tpu.memory_space<vmem>>
      %dma_start3A_159 = tpu.memref_slice %arg6[%add3A_151] : memref<327680xf32, #tpu.memory_space<hbm>> -> memref<2000xf32, #tpu.memory_space<hbm>>
      %dma_start3A_160 = tpu.memref_slice %arg6[%add3A_151] : memref<327680xf32, #tpu.memory_space<hbm>> -> memref<2000xf32, #tpu.memory_space<hbm>>
      %dma_start3A_161 = tpu.memref_slice %arg18[%mul3A_153] : memref<4000xf32, #tpu.memory_space<vmem>> -> memref<2000xf32, #tpu.memory_space<vmem>>
      tpu.enqueue_dma source(%dma_start3A_161 : memref<2000xf32, #tpu.memory_space<vmem>>) target(%dma_start3A_160 : memref<2000xf32, #tpu.memory_space<hbm>>) target_semaphore(%arg24 : memref<!tpu.dma_semaphore, #tpu.memory_space<semaphore_mem>>)
      %dma_start3A_162 = tpu.memref_slice %arg19[%mul3A_155] : memref<4000xf32, #tpu.memory_space<vmem>> -> memref<2000xf32, #tpu.memory_space<vmem>>
      %dma_start3A_163 = tpu.memref_slice %arg7[%add3A_151] : memref<327680xf32, #tpu.memory_space<hbm>> -> memref<2000xf32, #tpu.memory_space<hbm>>
      %dma_start3A_164 = tpu.memref_slice %arg7[%add3A_151] : memref<327680xf32, #tpu.memory_space<hbm>> -> memref<2000xf32, #tpu.memory_space<hbm>>
      %dma_start3A_165 = tpu.memref_slice %arg19[%mul3A_155] : memref<4000xf32, #tpu.memory_space<vmem>> -> memref<2000xf32, #tpu.memory_space<vmem>>
      tpu.enqueue_dma source(%dma_start3A_165 : memref<2000xf32, #tpu.memory_space<vmem>>) target(%dma_start3A_164 : memref<2000xf32, #tpu.memory_space<hbm>>) target_semaphore(%arg24 : memref<!tpu.dma_semaphore, #tpu.memory_space<semaphore_mem>>)
      %dma_start3A_166 = tpu.memref_slice %arg20[%mul3A_157] : memref<4000xf32, #tpu.memory_space<vmem>> -> memref<2000xf32, #tpu.memory_space<vmem>>
      %dma_start3A_167 = tpu.memref_slice %arg8[%add3A_151] : memref<327680xf32, #tpu.memory_space<hbm>> -> memref<2000xf32, #tpu.memory_space<hbm>>
      %dma_start3A_168 = tpu.memref_slice %arg8[%add3A_151] : memref<327680xf32, #tpu.memory_space<hbm>> -> memref<2000xf32, #tpu.memory_space<hbm>>
      %dma_start3A_169 = tpu.memref_slice %arg20[%mul3A_157] : memref<4000xf32, #tpu.memory_space<vmem>> -> memref<2000xf32, #tpu.memory_space<vmem>>
      tpu.enqueue_dma source(%dma_start3A_169 : memref<2000xf32, #tpu.memory_space<vmem>>) target(%dma_start3A_168 : memref<2000xf32, #tpu.memory_space<hbm>>) target_semaphore(%arg24 : memref<!tpu.dma_semaphore, #tpu.memory_space<semaphore_mem>>)
      %scan3A_170 = arith.constant 0 : i32
      scf.yield %scan3A_170 : i32
    }
    %scan3A_82 = arith.constant 5 : i32
    %rem3A_83 = arith.constant 4 : i32
    %rem3A_84 = arith.constant 2 : i32
    %rem3A_85 = arith.remsi %rem3A_83, %rem3A_84 : i32
    %mul3A_86 = arith.constant 10000 : i32
    %mul3A_87 = arith.muli %add3A, %mul3A_86 : i32
    %add3A_88 = arith.constant 8000 : i32
    %add3A_89 = arith.addi %mul3A_87, %add3A_88 : i32
    %mul3A_90 = arith.constant 2000 : i32
    %mul3A_91 = arith.muli %rem3A_85, %mul3A_90 : i32
    %mul3A_92 = arith.constant 2000 : i32
    %mul3A_93 = arith.muli %rem3A_85, %mul3A_92 : i32
    %mul3A_94 = arith.constant 2000 : i32
    %mul3A_95 = arith.muli %rem3A_85, %mul3A_94 : i32
    %dma_wait3A = tpu.memref_slice %arg18[%mul3A_91] : memref<4000xf32, #tpu.memory_space<vmem>> -> memref<2000xf32, #tpu.memory_space<vmem>>
    %dma_wait3A_96 = tpu.memref_slice %arg6[%add3A_89] : memref<327680xf32, #tpu.memory_space<hbm>> -> memref<2000xf32, #tpu.memory_space<hbm>>
    %dma_wait3A_97 = tpu.memref_slice %arg6[%add3A_89] : memref<327680xf32, #tpu.memory_space<hbm>> -> memref<2000xf32, #tpu.memory_space<hbm>>
    %dma_wait3A_98 = tpu.memref_slice %arg18[%mul3A_91] : memref<4000xf32, #tpu.memory_space<vmem>> -> memref<2000xf32, #tpu.memory_space<vmem>>
    tpu.wait_dma2 semaphore(%arg24 : memref<!tpu.dma_semaphore, #tpu.memory_space<semaphore_mem>>) src(%dma_wait3A_98 : memref<2000xf32, #tpu.memory_space<vmem>>) dst(%dma_wait3A_97 : memref<2000xf32, #tpu.memory_space<hbm>>)
    %dma_wait3A_99 = tpu.memref_slice %arg19[%mul3A_93] : memref<4000xf32, #tpu.memory_space<vmem>> -> memref<2000xf32, #tpu.memory_space<vmem>>
    %dma_wait3A_100 = tpu.memref_slice %arg7[%add3A_89] : memref<327680xf32, #tpu.memory_space<hbm>> -> memref<2000xf32, #tpu.memory_space<hbm>>
    %dma_wait3A_101 = tpu.memref_slice %arg7[%add3A_89] : memref<327680xf32, #tpu.memory_space<hbm>> -> memref<2000xf32, #tpu.memory_space<hbm>>
    %dma_wait3A_102 = tpu.memref_slice %arg19[%mul3A_93] : memref<4000xf32, #tpu.memory_space<vmem>> -> memref<2000xf32, #tpu.memory_space<vmem>>
    tpu.wait_dma2 semaphore(%arg24 : memref<!tpu.dma_semaphore, #tpu.memory_space<semaphore_mem>>) src(%dma_wait3A_102 : memref<2000xf32, #tpu.memory_space<vmem>>) dst(%dma_wait3A_101 : memref<2000xf32, #tpu.memory_space<hbm>>)
    %dma_wait3A_103 = tpu.memref_slice %arg20[%mul3A_95] : memref<4000xf32, #tpu.memory_space<vmem>> -> memref<2000xf32, #tpu.memory_space<vmem>>
    %dma_wait3A_104 = tpu.memref_slice %arg8[%add3A_89] : memref<327680xf32, #tpu.memory_space<hbm>> -> memref<2000xf32, #tpu.memory_space<hbm>>
    %dma_wait3A_105 = tpu.memref_slice %arg8[%add3A_89] : memref<327680xf32, #tpu.memory_space<hbm>> -> memref<2000xf32, #tpu.memory_space<hbm>>
    %dma_wait3A_106 = tpu.memref_slice %arg20[%mul3A_95] : memref<4000xf32, #tpu.memory_space<vmem>> -> memref<2000xf32, #tpu.memory_space<vmem>>
    tpu.wait_dma2 semaphore(%arg24 : memref<!tpu.dma_semaphore, #tpu.memory_space<semaphore_mem>>) src(%dma_wait3A_106 : memref<2000xf32, #tpu.memory_space<vmem>>) dst(%dma_wait3A_105 : memref<2000xf32, #tpu.memory_space<hbm>>)
    return
  }
}

module attributes {stable_mosaic.version = 14 : i64} {
  func.func @_prep_body(%arg0: memref<128x128xf32, #tpu.memory_space<vmem>>, %arg1: memref<128x128xf32, #tpu.memory_space<vmem>>, %arg2: memref<128x128xbf16, #tpu.memory_space<vmem>>) attributes {dimension_semantics = [], scalar_prefetch = 0 : i64, scratch_operands = 0 : i64, tpu.core_type = #tpu.core_type<tc>} {
    %get3A = arith.constant 0 : index
    %get3A_0 = arith.constant 0 : index
    %get3A_1 = vector.load %arg0[%get3A, %get3A_0] : memref<128x128xf32, #tpu.memory_space<vmem>>, vector<128x128xf32>
    %get3A_2 = arith.constant 0 : index
    %get3A_3 = arith.constant 0 : index
    %get3A_4 = vector.load %arg1[%get3A_2, %get3A_3] : memref<128x128xf32, #tpu.memory_space<vmem>>, vector<128x128xf32>
    %dot_general3A = arith.constant dense<0.000000e+00> : vector<128x128xf32>
    %dot_general3A_5 = tpu.matmul %get3A_1, %get3A_4, %dot_general3A {dimension_numbers = #tpu.dot_dimension_numbers<[1], [0], [0], [1], [0, 0, 1, 1], [], []>, transpose_lhs_hint = false} : vector<128x128xf32>, vector<128x128xf32>, vector<128x128xf32> -> vector<128x128xf32>
    %convert_element_type3A = arith.truncf %dot_general3A_5 : vector<128x128xf32> to vector<128x128xbf16>
    %swap3A = arith.constant 0 : index
    %swap3A_6 = arith.constant 0 : index
    %swap3A_7 = vector.load %arg2[%swap3A, %swap3A_6] : memref<128x128xbf16, #tpu.memory_space<vmem>>, vector<128x128xbf16>
    tpu.vector_store %arg2[%swap3A, %swap3A_6], %convert_element_type3A {strides = array<i32>} : memref<128x128xbf16, #tpu.memory_space<vmem>>, vector<128x128xbf16>,
    return
  }
}

module attributes {stable_mosaic.version = 14 : i64} {
  func.func @_tc_body(%arg0: i32, %arg1: memref<5120xf32, #tpu.memory_space<vmem>>, %arg2: memref<5120xf32, #tpu.memory_space<vmem>>, %arg3: memref<5120xf32, #tpu.memory_space<vmem>>, %arg4: memref<5120xf32, #tpu.memory_space<vmem>>, %arg5: memref<32x1xf32, #tpu.memory_space<vmem>>, %arg6: memref<32x1xf32, #tpu.memory_space<vmem>>, %arg7: memref<32x1xf32, #tpu.memory_space<vmem>>, %arg8: memref<1x4xf32, #tpu.memory_space<vmem>>, %arg9: memref<128x32xbf16, #tpu.memory_space<vmem>>, %arg10: memref<128x1xf32, #tpu.memory_space<vmem>>, %arg11: memref<128x128xbf16, #tpu.memory_space<vmem>>, %arg12: memref<8x128xf32, #tpu.memory_space<vmem>>) attributes {dimension_semantics = [#tpu.dimension_semantics<arbitrary>], iteration_bounds = array<i64: 64>, scalar_prefetch = 0 : i64, scratch_operands = 0 : i64, tpu.core_type = #tpu.core_type<tc>, window_params = [{transform_indices = @transform_0, window_bounds = array<i64: 5120>}, {transform_indices = @transform_1, window_bounds = array<i64: 5120>}, {transform_indices = @transform_2, window_bounds = array<i64: 5120>}, {transform_indices = @transform_3, window_bounds = array<i64: 5120>}, {pipeline_mode = #tpu.pipeline_mode<synchronous>, transform_indices = @transform_4, window_bounds = array<i64: 32, 1>}, {pipeline_mode = #tpu.pipeline_mode<synchronous>, transform_indices = @transform_5, window_bounds = array<i64: 32, 1>}, {pipeline_mode = #tpu.pipeline_mode<synchronous>, transform_indices = @transform_6, window_bounds = array<i64: 32, 1>}, {pipeline_mode = #tpu.pipeline_mode<synchronous>, transform_indices = @transform_7, window_bounds = array<i64: 1, 4>}, {pipeline_mode = #tpu.pipeline_mode<synchronous>, transform_indices = @transform_8, window_bounds = array<i64: 128, 32>}, {pipeline_mode = #tpu.pipeline_mode<synchronous>, transform_indices = @transform_9, window_bounds = array<i64: 128, 1>}, {pipeline_mode = #tpu.pipeline_mode<synchronous>, transform_indices = @transform_10, window_bounds = array<i64: 128, 128>}, {pipeline_mode = #tpu.pipeline_mode<synchronous>, transform_indices = @transform_11, window_bounds = array<i64: 8, 128>}]} {
    %eq3A = arith.constant 0 : i32
    %eq3A_0 = arith.cmpi eq, %arg0, %eq3A : i32
    %convert_element_type3A = arith.extui %eq3A_0 : i1 to i32
    %cond3A = arith.constant 0 : i32
    %cond3A_1 = arith.cmpi ne, %convert_element_type3A, %cond3A : i32
    scf.if %cond3A_1 {
      %broadcast_in_dim3A_86 = arith.constant 0.000000e+00 : f32
      %broadcast_in_dim3A_87 = vector.broadcast %broadcast_in_dim3A_86 : f32 to vector<8x128xf32>
      %swap3A_88 = arith.constant 0 : index
      %swap3A_89 = arith.constant 0 : index
      %swap3A_90 = vector.load %arg12[%swap3A_88, %swap3A_89] : memref<8x128xf32, #tpu.memory_space<vmem>>, vector<8x128xf32>
      tpu.vector_store %arg12[%swap3A_88, %swap3A_89], %broadcast_in_dim3A_87 {strides = array<i32>} : memref<8x128xf32, #tpu.memory_space<vmem>>, vector<8x128xf32>,
    } else {
    }
    %get3A = arith.constant 0 : index
    %get3A_2 = vector.load %arg1[%get3A] : memref<5120xf32, #tpu.memory_space<vmem>>, vector<5120xf32>
    %reshape3A = vector.shape_cast %get3A_2 : vector<5120xf32> to vector<1x5120xf32>
    %get3A_3 = arith.constant 0 : index
    %get3A_4 = vector.load %arg2[%get3A_3] : memref<5120xf32, #tpu.memory_space<vmem>>, vector<5120xf32>
    %reshape3A_5 = vector.shape_cast %get3A_4 : vector<5120xf32> to vector<1x5120xf32>
    %get3A_6 = arith.constant 0 : index
    %get3A_7 = vector.load %arg3[%get3A_6] : memref<5120xf32, #tpu.memory_space<vmem>>, vector<5120xf32>
    %reshape3A_8 = vector.shape_cast %get3A_7 : vector<5120xf32> to vector<1x5120xf32>
    %get3A_9 = arith.constant 0 : index
    %get3A_10 = vector.load %arg4[%get3A_9] : memref<5120xf32, #tpu.memory_space<vmem>>, vector<5120xf32>
    %reshape3A_11 = vector.shape_cast %get3A_10 : vector<5120xf32> to vector<1x5120xf32>
    %sqrt3A = math.sqrt %reshape3A : vector<1x5120xf32>
    %get3A_12 = arith.constant 0 : index
    %get3A_13 = arith.constant 0 : index
    %get3A_14 = vector.load %arg8[%get3A_12, %get3A_13] : memref<1x4xf32, #tpu.memory_space<vmem>>, vector<1x4xf32>
    %slice3A = vector.extract_strided_slice %get3A_14 {offsets = [0, 0], sizes = [1, 1], strides = [1, 1]} : vector<1x4xf32> to vector<1x1xf32>
    %mul3A = vector.broadcast %slice3A : vector<1x1xf32> to vector<1x5120xf32>
    %mul3A_15 = arith.mulf %reshape3A, %mul3A : vector<1x5120xf32>
    %slice3A_16 = vector.extract_strided_slice %get3A_14 {offsets = [0, 1], sizes = [1, 1], strides = [1, 1]} : vector<1x4xf32> to vector<1x1xf32>
    %mul3A_17 = vector.broadcast %slice3A_16 : vector<1x1xf32> to vector<1x5120xf32>
    %mul3A_18 = arith.mulf %sqrt3A, %mul3A_17 : vector<1x5120xf32>
    %add3A = arith.addf %mul3A_15, %mul3A_18 : vector<1x5120xf32>
    %slice3A_19 = vector.extract_strided_slice %get3A_14 {offsets = [0, 2], sizes = [1, 1], strides = [1, 1]} : vector<1x4xf32> to vector<1x1xf32>
    %add3A_20 = vector.broadcast %slice3A_19 : vector<1x1xf32> to vector<1x5120xf32>
    %add3A_21 = arith.addf %add3A, %add3A_20 : vector<1x5120xf32>
    %add3A_22 = arith.constant 9.99999997E-7 : f32
    %add3A_23 = vector.broadcast %add3A_22 : f32 to vector<1x5120xf32>
    %add3A_24 = arith.addf %add3A_21, %add3A_23 : vector<1x5120xf32>
    %rsqrt3A = math.rsqrt %add3A_24 : vector<1x5120xf32>
    %mul3A_25 = arith.mulf %sqrt3A, %rsqrt3A : vector<1x5120xf32>
    %get3A_26 = arith.constant 0 : index
    %get3A_27 = arith.constant 0 : index
    %get3A_28 = vector.load %arg5[%get3A_26, %get3A_27] : memref<32x1xf32, #tpu.memory_space<vmem>>, vector<32x1xf32>
    %mul3A_29 = vector.broadcast %mul3A_25 : vector<1x5120xf32> to vector<32x5120xf32>
    %mul3A_30 = vector.broadcast %get3A_28 : vector<32x1xf32> to vector<32x5120xf32>
    %mul3A_31 = arith.mulf %mul3A_29, %mul3A_30 : vector<32x5120xf32>
    %get3A_32 = arith.constant 0 : index
    %get3A_33 = arith.constant 0 : index
    %get3A_34 = vector.load %arg6[%get3A_32, %get3A_33] : memref<32x1xf32, #tpu.memory_space<vmem>>, vector<32x1xf32>
    %mul3A_35 = vector.broadcast %rsqrt3A : vector<1x5120xf32> to vector<32x5120xf32>
    %mul3A_36 = vector.broadcast %get3A_34 : vector<32x1xf32> to vector<32x5120xf32>
    %mul3A_37 = arith.mulf %mul3A_35, %mul3A_36 : vector<32x5120xf32>
    %get3A_38 = arith.constant 0 : index
    %get3A_39 = arith.constant 0 : index
    %get3A_40 = vector.load %arg7[%get3A_38, %get3A_39] : memref<32x1xf32, #tpu.memory_space<vmem>>, vector<32x1xf32>
    %add3A_41 = vector.broadcast %get3A_40 : vector<32x1xf32> to vector<32x5120xf32>
    %add3A_42 = arith.addf %mul3A_37, %add3A_41 : vector<32x5120xf32>
    %add3A_43 = arith.addf %mul3A_31, %add3A_42 : vector<32x5120xf32>
    %logistic3A = arith.negf %add3A_43 : vector<32x5120xf32>
    %logistic3A_44 = math.exp %logistic3A : vector<32x5120xf32>
    %logistic3A_45 = arith.constant 1.000000e+00 : f32
    %logistic3A_46 = vector.broadcast %logistic3A_45 : f32 to vector<32x5120xf32>
    %logistic3A_47 = arith.addf %logistic3A_46, %logistic3A_44 : vector<32x5120xf32>
    %logistic3A_48 = arith.divf %logistic3A_46, %logistic3A_47 : vector<32x5120xf32>
    %mul3A_49 = arith.mulf %add3A_43, %logistic3A_48 : vector<32x5120xf32>
    %get3A_50 = arith.constant 0 : index
    %get3A_51 = arith.constant 0 : index
    %get3A_52 = vector.load %arg9[%get3A_50, %get3A_51] : memref<128x32xbf16, #tpu.memory_space<vmem>>, vector<128x32xbf16>
    %convert_element_type3A_53 = arith.truncf %mul3A_49 : vector<32x5120xf32> to vector<32x5120xbf16>
    %dot_general3A = arith.constant dense<0.000000e+00> : vector<128x5120xf32>
    %dot_general3A_54 = tpu.matmul %get3A_52, %convert_element_type3A_53, %dot_general3A {dimension_numbers = #tpu.dot_dimension_numbers<[1], [0], [0], [1], [0, 0, 1, 1], [], []>, transpose_lhs_hint = false} : vector<128x32xbf16>, vector<32x5120xbf16>, vector<128x5120xf32> -> vector<128x5120xf32>
    %get3A_55 = arith.constant 0 : index
    %get3A_56 = arith.constant 0 : index
    %get3A_57 = vector.load %arg10[%get3A_55, %get3A_56] : memref<128x1xf32, #tpu.memory_space<vmem>>, vector<128x1xf32>
    %add3A_58 = vector.broadcast %get3A_57 : vector<128x1xf32> to vector<128x5120xf32>
    %add3A_59 = arith.addf %dot_general3A_54, %add3A_58 : vector<128x5120xf32>
    %iota3A = tpu.iota {dimensions = array<i32: 0>} : vector<128x5120xi32>
    %convert_element_type3A_60 = arith.fptosi %reshape3A_5 : vector<1x5120xf32> to vector<1x5120xi32>
    %eq3A_61 = vector.broadcast %convert_element_type3A_60 : vector<1x5120xi32> to vector<128x5120xi32>
    %eq3A_62 = arith.cmpi eq, %iota3A, %eq3A_61 : vector<128x5120xi32>
    %convert_element_type3A_63 = arith.extui %eq3A_62 : vector<128x5120xi1> to vector<128x5120xi32>
    %convert_element_type3A_64 = arith.sitofp %convert_element_type3A_63 : vector<128x5120xi32> to vector<128x5120xf32>
    %convert_element_type3A_65 = arith.truncf %convert_element_type3A_64 : vector<128x5120xf32> to vector<128x5120xbf16>
    %get3A_66 = arith.constant 0 : index
    %get3A_67 = arith.constant 0 : index
    %get3A_68 = vector.load %arg11[%get3A_66, %get3A_67] : memref<128x128xbf16, #tpu.memory_space<vmem>>, vector<128x128xbf16>
    %dot_general3A_69 = arith.constant dense<0.000000e+00> : vector<128x5120xf32>
    %dot_general3A_70 = tpu.matmul %get3A_68, %convert_element_type3A_65, %dot_general3A_69 {dimension_numbers = #tpu.dot_dimension_numbers<[1], [0], [0], [1], [0, 0, 1, 1], [], []>, transpose_lhs_hint = false} : vector<128x128xbf16>, vector<128x5120xbf16>, vector<128x5120xf32> -> vector<128x5120xf32>
    %mul3A_71 = arith.mulf %add3A_59, %dot_general3A_70 : vector<128x5120xf32>
    %iota3A_72 = tpu.iota {dimensions = array<i32: 0>} : vector<8x5120xi32>
    %convert_element_type3A_73 = arith.fptosi %reshape3A_8 : vector<1x5120xf32> to vector<1x5120xi32>
    %eq3A_74 = vector.broadcast %convert_element_type3A_73 : vector<1x5120xi32> to vector<8x5120xi32>
    %eq3A_75 = arith.cmpi eq, %iota3A_72, %eq3A_74 : vector<8x5120xi32>
    %jit3A = arith.constant 0.000000e+00 : f32
    %broadcast_in_dim3A = vector.shape_cast %reshape3A_11 : vector<1x5120xf32> to vector<1x5120xf32>
    %broadcast_in_dim3A_76 = vector.broadcast %broadcast_in_dim3A : vector<1x5120xf32> to vector<8x5120xf32>
    %broadcast_in_dim3A_77 = vector.broadcast %jit3A : f32 to vector<8x5120xf32>
    %select_n3A = arith.select %eq3A_75, %broadcast_in_dim3A_76, %broadcast_in_dim3A_77 : vector<8x5120xi1>, vector<8x5120xf32>
    %get3A_78 = arith.constant 0 : index
    %get3A_79 = arith.constant 0 : index
    %get3A_80 = vector.load %arg12[%get3A_78, %get3A_79] : memref<8x128xf32, #tpu.memory_space<vmem>>, vector<8x128xf32>
    %dot_general3A_81 = arith.constant dense<0.000000e+00> : vector<8x128xf32>
    %dot_general3A_82 = tpu.matmul %select_n3A, %mul3A_71, %dot_general3A_81 {dimension_numbers = #tpu.dot_dimension_numbers<[1], [1], [0], [0], [0, 0, 1, 0], [], []>, transpose_lhs_hint = false} : vector<8x5120xf32>, vector<128x5120xf32>, vector<8x128xf32> -> vector<8x128xf32>
    %add3A_83 = arith.addf %get3A_80, %dot_general3A_82 : vector<8x128xf32>
    %swap3A = arith.constant 0 : index
    %swap3A_84 = arith.constant 0 : index
    %swap3A_85 = vector.load %arg12[%swap3A, %swap3A_84] : memref<8x128xf32, #tpu.memory_space<vmem>>, vector<8x128xf32>
    tpu.vector_store %arg12[%swap3A, %swap3A_84], %add3A_83 {strides = array<i32>} : memref<8x128xf32, #tpu.memory_space<vmem>>, vector<8x128xf32>,
    return
  }
  func.func @transform_0(%arg0: i32) -> i32 {
    %c0_i32 = arith.constant 0 : i32
    return %arg0 : i32
  }
  func.func @transform_1(%arg0: i32) -> i32 {
    %c0_i32 = arith.constant 0 : i32
    return %arg0 : i32
  }
  func.func @transform_2(%arg0: i32) -> i32 {
    %c0_i32 = arith.constant 0 : i32
    return %arg0 : i32
  }
  func.func @transform_3(%arg0: i32) -> i32 {
    %c0_i32 = arith.constant 0 : i32
    return %arg0 : i32
  }
  func.func @transform_4(%arg0: i32) -> (i32, i32) {
    %c0_i32 = arith.constant 0 : i32
    %c0_i32_0 = arith.constant 0 : i32
    %c0_i32_1 = arith.constant 0 : i32
    return %c0_i32, %c0_i32_0 : i32, i32
  }
  func.func @transform_5(%arg0: i32) -> (i32, i32) {
    %c0_i32 = arith.constant 0 : i32
    %c0_i32_0 = arith.constant 0 : i32
    %c0_i32_1 = arith.constant 0 : i32
    return %c0_i32, %c0_i32_0 : i32, i32
  }
  func.func @transform_6(%arg0: i32) -> (i32, i32) {
    %c0_i32 = arith.constant 0 : i32
    %c0_i32_0 = arith.constant 0 : i32
    %c0_i32_1 = arith.constant 0 : i32
    return %c0_i32, %c0_i32_0 : i32, i32
  }
  func.func @transform_7(%arg0: i32) -> (i32, i32) {
    %c0_i32 = arith.constant 0 : i32
    %c0_i32_0 = arith.constant 0 : i32
    %c0_i32_1 = arith.constant 0 : i32
    return %c0_i32, %c0_i32_0 : i32, i32
  }
  func.func @transform_8(%arg0: i32) -> (i32, i32) {
    %c0_i32 = arith.constant 0 : i32
    %c0_i32_0 = arith.constant 0 : i32
    %c0_i32_1 = arith.constant 0 : i32
    return %c0_i32, %c0_i32_0 : i32, i32
  }
  func.func @transform_9(%arg0: i32) -> (i32, i32) {
    %c0_i32 = arith.constant 0 : i32
    %c0_i32_0 = arith.constant 0 : i32
    %c0_i32_1 = arith.constant 0 : i32
    return %c0_i32, %c0_i32_0 : i32, i32
  }
  func.func @transform_10(%arg0: i32) -> (i32, i32) {
    %c0_i32 = arith.constant 0 : i32
    %c0_i32_0 = arith.constant 0 : i32
    %c0_i32_1 = arith.constant 0 : i32
    return %c0_i32, %c0_i32_0 : i32, i32
  }
  func.func @transform_11(%arg0: i32) -> (i32, i32) {
    %c0_i32 = arith.constant 0 : i32
    %c0_i32_0 = arith.constant 0 : i32
    %c0_i32_1 = arith.constant 0 : i32
    return %c0_i32, %c0_i32_0 : i32, i32
  }
}

module attributes {stable_mosaic.version = 14 : i64} {
  func.func @_final_body(%arg0: memref<8x128xf32, #tpu.memory_space<vmem>>, %arg1: memref<10000xi32, #tpu.memory_space<vmem>>, %arg2: memref<128x32xf32, #tpu.memory_space<vmem>>, %arg3: memref<1x32xf32, #tpu.memory_space<vmem>>, %arg4: memref<1x32xf32, #tpu.memory_space<vmem>>, %arg5: memref<1x32xf32, #tpu.memory_space<vmem>>, %arg6: memref<32x128xf32, #tpu.memory_space<vmem>>, %arg7: memref<1x128xf32, #tpu.memory_space<vmem>>, %arg8: memref<4x128xf32, #tpu.memory_space<vmem>>) attributes {dimension_semantics = [], scalar_prefetch = 0 : i64, scratch_operands = 0 : i64, tpu.core_type = #tpu.core_type<tc>} {
    %get3A = arith.constant 0 : index
    %get3A_0 = vector.load %arg1[%get3A] : memref<10000xi32, #tpu.memory_space<vmem>>, vector<10000xi32>
    %get3A_1 = arith.constant 0 : index
    %get3A_2 = arith.constant 0 : index
    %get3A_3 = vector.load %arg0[%get3A_1, %get3A_2] : memref<8x128xf32, #tpu.memory_space<vmem>>, vector<8x128xf32>
    %eq3A = arith.constant 0 : i32
    %eq3A_4 = vector.broadcast %eq3A : i32 to vector<10000xi32>
    %eq3A_5 = arith.cmpi eq, %get3A_0, %eq3A_4 : vector<10000xi32>
    %convert_element_type3A = arith.extui %eq3A_5 : vector<10000xi1> to vector<10000xi32>
    %convert_element_type3A_6 = arith.sitofp %convert_element_type3A : vector<10000xi32> to vector<10000xf32>
    %reduce_sum3A = vector.shape_cast %convert_element_type3A_6 : vector<10000xf32> to vector<1x10000xf32>
    %reduce_sum3A_7 = arith.constant dense<0.000000e+00> : vector<1xf32>
    %reduce_sum3A_8 = vector.multi_reduction <add>, %reduce_sum3A, %reduce_sum3A_7 [1] : vector<1x10000xf32> to vector<1xf32>
    %reduce_sum3A_9 = vector.shape_cast %reduce_sum3A_8 : vector<1xf32> to vector<1x1xf32>
    %reduce_sum3A_10 = vector.extract %reduce_sum3A_9[0, 0] : f32 from vector<1x1xf32>
    %max3A = arith.constant 1.000000e+00 : f32
    %max3A_11 = arith.maximumf %reduce_sum3A_10, %max3A : f32
    %slice3A = vector.extract_strided_slice %get3A_3 {offsets = [0, 0], sizes = [1, 128], strides = [1, 1]} : vector<8x128xf32> to vector<1x128xf32>
    %div3A = vector.broadcast %max3A_11 : f32 to vector<1x128xf32>
    %div3A_12 = arith.divf %slice3A, %div3A : vector<1x128xf32>
    %eq3A_13 = arith.constant 1 : i32
    %eq3A_14 = vector.broadcast %eq3A_13 : i32 to vector<10000xi32>
    %eq3A_15 = arith.cmpi eq, %get3A_0, %eq3A_14 : vector<10000xi32>
    %convert_element_type3A_16 = arith.extui %eq3A_15 : vector<10000xi1> to vector<10000xi32>
    %convert_element_type3A_17 = arith.sitofp %convert_element_type3A_16 : vector<10000xi32> to vector<10000xf32>
    %reduce_sum3A_18 = vector.shape_cast %convert_element_type3A_17 : vector<10000xf32> to vector<1x10000xf32>
    %reduce_sum3A_19 = arith.constant dense<0.000000e+00> : vector<1xf32>
    %reduce_sum3A_20 = vector.multi_reduction <add>, %reduce_sum3A_18, %reduce_sum3A_19 [1] : vector<1x10000xf32> to vector<1xf32>
    %reduce_sum3A_21 = vector.shape_cast %reduce_sum3A_20 : vector<1xf32> to vector<1x1xf32>
    %reduce_sum3A_22 = vector.extract %reduce_sum3A_21[0, 0] : f32 from vector<1x1xf32>
    %max3A_23 = arith.constant 1.000000e+00 : f32
    %max3A_24 = arith.maximumf %reduce_sum3A_22, %max3A_23 : f32
    %slice3A_25 = vector.extract_strided_slice %get3A_3 {offsets = [1, 0], sizes = [1, 128], strides = [1, 1]} : vector<8x128xf32> to vector<1x128xf32>
    %div3A_26 = vector.broadcast %max3A_24 : f32 to vector<1x128xf32>
    %div3A_27 = arith.divf %slice3A_25, %div3A_26 : vector<1x128xf32>
    %eq3A_28 = arith.constant 2 : i32
    %eq3A_29 = vector.broadcast %eq3A_28 : i32 to vector<10000xi32>
    %eq3A_30 = arith.cmpi eq, %get3A_0, %eq3A_29 : vector<10000xi32>
    %convert_element_type3A_31 = arith.extui %eq3A_30 : vector<10000xi1> to vector<10000xi32>
    %convert_element_type3A_32 = arith.sitofp %convert_element_type3A_31 : vector<10000xi32> to vector<10000xf32>
    %reduce_sum3A_33 = vector.shape_cast %convert_element_type3A_32 : vector<10000xf32> to vector<1x10000xf32>
    %reduce_sum3A_34 = arith.constant dense<0.000000e+00> : vector<1xf32>
    %reduce_sum3A_35 = vector.multi_reduction <add>, %reduce_sum3A_33, %reduce_sum3A_34 [1] : vector<1x10000xf32> to vector<1xf32>
    %reduce_sum3A_36 = vector.shape_cast %reduce_sum3A_35 : vector<1xf32> to vector<1x1xf32>
    %reduce_sum3A_37 = vector.extract %reduce_sum3A_36[0, 0] : f32 from vector<1x1xf32>
    %max3A_38 = arith.constant 1.000000e+00 : f32
    %max3A_39 = arith.maximumf %reduce_sum3A_37, %max3A_38 : f32
    %slice3A_40 = vector.extract_strided_slice %get3A_3 {offsets = [2, 0], sizes = [1, 128], strides = [1, 1]} : vector<8x128xf32> to vector<1x128xf32>
    %div3A_41 = vector.broadcast %max3A_39 : f32 to vector<1x128xf32>
    %div3A_42 = arith.divf %slice3A_40, %div3A_41 : vector<1x128xf32>
    %eq3A_43 = arith.constant 3 : i32
    %eq3A_44 = vector.broadcast %eq3A_43 : i32 to vector<10000xi32>
    %eq3A_45 = arith.cmpi eq, %get3A_0, %eq3A_44 : vector<10000xi32>
    %convert_element_type3A_46 = arith.extui %eq3A_45 : vector<10000xi1> to vector<10000xi32>
    %convert_element_type3A_47 = arith.sitofp %convert_element_type3A_46 : vector<10000xi32> to vector<10000xf32>
    %reduce_sum3A_48 = vector.shape_cast %convert_element_type3A_47 : vector<10000xf32> to vector<1x10000xf32>
    %reduce_sum3A_49 = arith.constant dense<0.000000e+00> : vector<1xf32>
    %reduce_sum3A_50 = vector.multi_reduction <add>, %reduce_sum3A_48, %reduce_sum3A_49 [1] : vector<1x10000xf32> to vector<1xf32>
    %reduce_sum3A_51 = vector.shape_cast %reduce_sum3A_50 : vector<1xf32> to vector<1x1xf32>
    %reduce_sum3A_52 = vector.extract %reduce_sum3A_51[0, 0] : f32 from vector<1x1xf32>
    %max3A_53 = arith.constant 1.000000e+00 : f32
    %max3A_54 = arith.maximumf %reduce_sum3A_52, %max3A_53 : f32
    %slice3A_55 = vector.extract_strided_slice %get3A_3 {offsets = [3, 0], sizes = [1, 128], strides = [1, 1]} : vector<8x128xf32> to vector<1x128xf32>
    %div3A_56 = vector.broadcast %max3A_54 : f32 to vector<1x128xf32>
    %div3A_57 = arith.divf %slice3A_55, %div3A_56 : vector<1x128xf32>
    %concatenate3A = tpu.concatenate %div3A_12, %div3A_27, %div3A_42, %div3A_57 in 0 : vector<1x128xf32>, vector<1x128xf32>, vector<1x128xf32>, vector<1x128xf32> -> vector<4x128xf32>
    %get3A_58 = arith.constant 0 : index
    %get3A_59 = arith.constant 0 : index
    %get3A_60 = vector.load %arg2[%get3A_58, %get3A_59] : memref<128x32xf32, #tpu.memory_space<vmem>>, vector<128x32xf32>
    %dot_general3A = arith.constant dense<0.000000e+00> : vector<4x32xf32>
    %dot_general3A_61 = tpu.matmul %concatenate3A, %get3A_60, %dot_general3A {dimension_numbers = #tpu.dot_dimension_numbers<[1], [0], [0], [1], [0, 0, 1, 1], [], []>, transpose_lhs_hint = false} : vector<4x128xf32>, vector<128x32xf32>, vector<4x32xf32> -> vector<4x32xf32>
    %get3A_62 = arith.constant 0 : index
    %get3A_63 = arith.constant 0 : index
    %get3A_64 = vector.load %arg3[%get3A_62, %get3A_63] : memref<1x32xf32, #tpu.memory_space<vmem>>, vector<1x32xf32>
    %add3A = vector.broadcast %get3A_64 : vector<1x32xf32> to vector<4x32xf32>
    %add3A_65 = arith.addf %dot_general3A_61, %add3A : vector<4x32xf32>
    %reduce_sum3A_66 = arith.constant dense<0.000000e+00> : vector<4xf32>
    %reduce_sum3A_67 = vector.multi_reduction <add>, %add3A_65, %reduce_sum3A_66 [1] : vector<4x32xf32> to vector<4xf32>
    %broadcast_in_dim3A = vector.shape_cast %reduce_sum3A_67 : vector<4xf32> to vector<4x1xf32>
    %div3A_68 = arith.constant 3.200000e+01 : f32
    %div3A_69 = vector.broadcast %div3A_68 : f32 to vector<4x1xf32>
    %div3A_70 = arith.divf %broadcast_in_dim3A, %div3A_69 : vector<4x1xf32>
    %sub3A = vector.broadcast %div3A_70 : vector<4x1xf32> to vector<4x32xf32>
    %sub3A_71 = arith.subf %add3A_65, %sub3A : vector<4x32xf32>
    %integer_pow3A = arith.mulf %sub3A_71, %sub3A_71 : vector<4x32xf32>
    %reduce_sum3A_72 = arith.constant dense<0.000000e+00> : vector<4xf32>
    %reduce_sum3A_73 = vector.multi_reduction <add>, %integer_pow3A, %reduce_sum3A_72 [1] : vector<4x32xf32> to vector<4xf32>
    %broadcast_in_dim3A_74 = vector.shape_cast %reduce_sum3A_73 : vector<4xf32> to vector<4x1xf32>
    %div3A_75 = arith.constant 3.200000e+01 : f32
    %div3A_76 = vector.broadcast %div3A_75 : f32 to vector<4x1xf32>
    %div3A_77 = arith.divf %broadcast_in_dim3A_74, %div3A_76 : vector<4x1xf32>
    %sub3A_78 = vector.broadcast %div3A_70 : vector<4x1xf32> to vector<4x32xf32>
    %sub3A_79 = arith.subf %add3A_65, %sub3A_78 : vector<4x32xf32>
    %add3A_80 = arith.constant 9.99999997E-7 : f32
    %add3A_81 = vector.broadcast %add3A_80 : f32 to vector<4x1xf32>
    %add3A_82 = arith.addf %div3A_77, %add3A_81 : vector<4x1xf32>
    %sqrt3A = math.sqrt %add3A_82 : vector<4x1xf32>
    %div3A_83 = vector.broadcast %sqrt3A : vector<4x1xf32> to vector<4x32xf32>
    %div3A_84 = arith.divf %sub3A_79, %div3A_83 : vector<4x32xf32>
    %get3A_85 = arith.constant 0 : index
    %get3A_86 = arith.constant 0 : index
    %get3A_87 = vector.load %arg4[%get3A_85, %get3A_86] : memref<1x32xf32, #tpu.memory_space<vmem>>, vector<1x32xf32>
    %mul3A = vector.broadcast %get3A_87 : vector<1x32xf32> to vector<4x32xf32>
    %mul3A_88 = arith.mulf %div3A_84, %mul3A : vector<4x32xf32>
    %get3A_89 = arith.constant 0 : index
    %get3A_90 = arith.constant 0 : index
    %get3A_91 = vector.load %arg5[%get3A_89, %get3A_90] : memref<1x32xf32, #tpu.memory_space<vmem>>, vector<1x32xf32>
    %add3A_92 = vector.broadcast %get3A_91 : vector<1x32xf32> to vector<4x32xf32>
    %add3A_93 = arith.addf %mul3A_88, %add3A_92 : vector<4x32xf32>
    %logistic3A = arith.negf %add3A_93 : vector<4x32xf32>
    %logistic3A_94 = math.exp %logistic3A : vector<4x32xf32>
    %logistic3A_95 = arith.constant 1.000000e+00 : f32
    %logistic3A_96 = vector.broadcast %logistic3A_95 : f32 to vector<4x32xf32>
    %logistic3A_97 = arith.addf %logistic3A_96, %logistic3A_94 : vector<4x32xf32>
    %logistic3A_98 = arith.divf %logistic3A_96, %logistic3A_97 : vector<4x32xf32>
    %mul3A_99 = arith.mulf %add3A_93, %logistic3A_98 : vector<4x32xf32>
    %get3A_100 = arith.constant 0 : index
    %get3A_101 = arith.constant 0 : index
    %get3A_102 = vector.load %arg6[%get3A_100, %get3A_101] : memref<32x128xf32, #tpu.memory_space<vmem>>, vector<32x128xf32>
    %dot_general3A_103 = arith.constant dense<0.000000e+00> : vector<4x128xf32>
    %dot_general3A_104 = tpu.matmul %mul3A_99, %get3A_102, %dot_general3A_103 {dimension_numbers = #tpu.dot_dimension_numbers<[1], [0], [0], [1], [0, 0, 1, 1], [], []>, transpose_lhs_hint = false} : vector<4x32xf32>, vector<32x128xf32>, vector<4x128xf32> -> vector<4x128xf32>
    %get3A_105 = arith.constant 0 : index
    %get3A_106 = arith.constant 0 : index
    %get3A_107 = vector.load %arg7[%get3A_105, %get3A_106] : memref<1x128xf32, #tpu.memory_space<vmem>>, vector<1x128xf32>
    %add3A_108 = vector.broadcast %get3A_107 : vector<1x128xf32> to vector<4x128xf32>
    %add3A_109 = arith.addf %dot_general3A_104, %add3A_108 : vector<4x128xf32>
    %swap3A = arith.constant 0 : index
    %swap3A_110 = arith.constant 0 : index
    %swap3A_111 = vector.load %arg8[%swap3A, %swap3A_110] : memref<4x128xf32, #tpu.memory_space<vmem>>, vector<4x128xf32>
    tpu.vector_store %arg8[%swap3A, %swap3A_110], %add3A_109 {strides = array<i32>} : memref<4x128xf32, #tpu.memory_space<vmem>>, vector<4x128xf32>,
    return
  }
}

</mosaic_0001>

<sc_bundles>
// kernel: kernel.6.cloned.1.call-start
scs
__scs_entry_jumppad:
0x0: {  	(pc) =	sbr.rel $0x88, $3  }
0x1: {  	(tag) =	ssettag $0x0;
	lr =	simm.s32 $0x1  }
0x2: {  	[smem:$0x3F8E] =	sst lr;
	_ =	strace $0xD0000000  }
0x3: {  	_ = 	snop  }
0x4: {  	_ = 	snop  }
0x5: {  	_ = 	snop  }
0x6: {  	_ = 	snop  }
0x7: {  	_ = 	snop  }
__scs_overlays_trampoline_lowered:
0x8: {  	[smem:$0x3F9D] =	sst s0  }
0x9: {  	[smem:$0x3F9E] =	sst s1  }
0xa: {  	[smem:$0x3F9F] =	sst s2  }
0xb: {  	[smem:$0x3FA0] =	sst s3  }
0xc: {  	[smem:$0x3FA1] =	sst s4  }
0xd: {  	[smem:$0x3FA2] =	sst s5  }
0xe: {  	[smem:$0x3FA3] =	sst s6  }
0xf: {  	[smem:$0x3FA4] =	sst s7  }
0x10: {  	[smem:$0x3FA5] =	sst s8  }
0x11: {  	[smem:$0x3FA6] =	sst s9;
	s0 =	simm.s32 @!p0 $0x0  }
0x12: {  	s1 =	sld [smem:$0x3F8C];
	s0 =	simm.s32 @p0 $0x1  }
0x13: {  	[smem:$0x3FA7] =	sst s0;
	s0 =	simm.s32 @!p1 $0x0  }
0x14: {  	s2 =	sld [smem:$0x3F8B];
	s0 =	simm.s32 @p1 $0x1  }
0x15: {  	[smem:$0x3FA8] =	sst s0;
	s0 =	simm.s32 @!p2 $0x0  }
0x16: {  	s3 =	sld [smem:$0x3FDB];
	s0 =	simm.s32 @p2 $0x1  }
0x17: {  	s4 =	simm.s32 $0x1BF5;
	[smem:$0x3FAA] =	sst s0  }
0x18: {  	s0 =	sld [smem:$0x3F8D];
	_ =	swait.ge [sflag:s4], $0x0  }
0x19: {  	s7 =	sld [smem:$0x3F8E]  }
0x1a: {  	s8 =	sadd.s32 $0xFFFFE003, lr  }
0x1b: {  	s9 =	sadd.s32 $0xFFFFFEF7, lr;
	s5 =	simm.s32 $0xFFFFFFFF;
	p2 =	slt.u32 s8, $0xFFFFF086  }
0x1c: {  	p1 =	slt.u32 s9, $0xF7A;
	s5 =	simm.s32 @!p2 $0x0  }
0x1d: {  	s5 =	simm.s32 @p1 $0x1;
	p0 =	seq.s32 s7, s2  }
0x1e: {  	s7 =	smul.u32 @!p0 $0xF7A, s2;
	p2 =	seq.s32 @!p0 s5, $0x0  }
0x1f: {  	s9 =	smul.u32 $0xF7A, s1;
	s8 =	simm.s32 @!p0 $0x1BF5;
	p2 =	por !p2, p0  }
0x20: {  	[sflag:s8] =	ssyncset.s32 @!p0 $0xFFFFF086;
	s6 =	sadd.s32 @!p0 s3, s7;
	s7 =	simm.s32 @!p0 $0x108  }
0x21: {  	s3 =	sadd.s32 s3, s9;
	s6 =	sadd.s32 @!p0 $0x88, s6;
	s7 =	simm.s32 @p2 $0x1082  }
0x22: {  	[simem:s7], [sflag:s8] =	dma.local @!p0 [hbm:s6], $0xF7A  }
0x23: {  	s9 =	sor.u32 $0xD0000000, s2;
	s6 =	simm.s32 $0x108;
	_ =	swait.ge @!p0 [sflag:s8], $0x0  }
0x24: {  	s3 =	sadd.s32 $0x88, s3;
	s6 =	simm.s32 @!p1 $0x1082;
	[sflag:s4] =	ssyncset.s32 $0xFFFFF086  }
0x25: {  	[simem:s6], [sflag:s4] =	dma.local [hbm:s3], $0xF7A  }
0x26: {  	[smem:$0x3F8E] =	sst s1;
	(tag) =	ssettag s2;
	_ =	strace s9  }
0x27: {  	s1 =	sld [smem:$0x3F9E]  }
0x28: {  	s2 =	sld [smem:$0x3F9F]  }
0x29: {  	s4 =	sld [smem:$0x3FA1]  }
0x2a: {  	p0 =	seq.s32 s5, $0x0;
	s5 =	sld [smem:$0x3FA2]  }
0x2b: {  	s6 =	sld [smem:$0x3FA3]  }
0x2c: {  	s7 =	sld [smem:$0x3FA4]  }
0x2d: {  	s3 =	simm.s32 $0x108;
	s8 =	sld [smem:$0x3FA5]  }
0x2e: {  	s3 =	simm.s32 @!p0 $0x1082;
	s9 =	sld [smem:$0x3FA6]  }
0x2f: {  	lr =	sadd.s32 s0, s3;
	s0 =	sld [smem:$0x3F9D]  }
0x30: {  	s3 =	sld [smem:$0x3FA0]  }
0x31: {  	[smem:$0x3FA9] =	sst s10  }
0x32: {  	s10 =	sld [smem:$0x3FA7];
	_ =	sdelay $0x3  }
0x33: {  	p0 =	seq.s32 s10, $0x1;
	s10 =	sld [smem:$0x3FA9];
	_ =	sdelay $0x3  }
0x34: {  	[smem:$0x3FA9] =	sst s10  }
0x35: {  	s10 =	sld [smem:$0x3FA8];
	_ =	sdelay $0x3  }
0x36: {  	p1 =	seq.s32 s10, $0x1;
	s10 =	sld [smem:$0x3FA9];
	_ =	sdelay $0x3  }
0x37: {  	[smem:$0x3FA9] =	sst s10  }
0x38: {  	s10 =	sld [smem:$0x3FAA]  }
0x39: {  	_ = 	snop;
	(pc) =	sbr.ind lr, $3  }
0x3a: {  	_ = 	snop  }
0x3b: {  	_ = 	snop  }
0x3c: {  	p2 =	seq.s32 s10, $0x1;
	s10 =	sld [smem:$0x3FA9]  }
0x3d: {  	_ =	shalt  }
0x3e: {  	_ =	shalt  }
0x3f: {  	_ =	shalt  }
0x40: {  	_ =	shalt  }
0x41: {  	_ =	shalt  }
0x42: {  	_ =	shalt  }
0x43: {  	_ =	shalt  }
0x44: {  	_ =	shalt  }
0x45: {  	_ =	shalt  }
0x46: {  	_ =	shalt  }
0x47: {  	_ =	shalt  }
0x48: {  	_ =	shalt  }
0x49: {  	_ =	shalt  }
0x4a: {  	_ =	shalt  }
0x4b: {  	_ =	shalt  }
0x4c: {  	_ =	shalt  }
0x4d: {  	_ =	shalt  }
0x4e: {  	_ =	shalt  }
0x4f: {  	_ =	shalt  }
0x50: {  	_ =	shalt  }
0x51: {  	_ =	shalt  }
0x52: {  	_ =	shalt  }
0x53: {  	_ =	shalt  }
0x54: {  	_ =	shalt  }
0x55: {  	_ =	shalt  }
0x56: {  	_ =	shalt  }
0x57: {  	_ =	shalt  }
0x58: {  	_ =	shalt  }
0x59: {  	_ =	shalt  }
0x5a: {  	_ =	shalt  }
0x5b: {  	_ =	shalt  }
0x5c: {  	_ =	shalt  }
0x5d: {  	_ =	shalt  }
0x5e: {  	_ =	shalt  }
0x5f: {  	_ =	shalt  }
0x60: {  	_ =	shalt  }
0x61: {  	_ =	shalt  }
0x62: {  	_ =	shalt  }
0x63: {  	_ =	shalt  }
0x64: {  	_ =	shalt  }
0x65: {  	_ =	shalt  }
0x66: {  	_ =	shalt  }
0x67: {  	_ =	shalt  }
0x68: {  	_ =	shalt  }
0x69: {  	_ =	shalt  }
0x6a: {  	_ =	shalt  }
0x6b: {  	_ =	shalt  }
0x6c: {  	_ =	shalt  }
0x6d: {  	_ =	shalt  }
0x6e: {  	_ =	shalt  }
0x6f: {  	_ =	shalt  }
0x70: {  	_ =	shalt  }
0x71: {  	_ =	shalt  }
0x72: {  	_ =	shalt  }
0x73: {  	_ =	shalt  }
0x74: {  	_ =	shalt  }
0x75: {  	_ =	shalt  }
0x76: {  	_ =	shalt  }
0x77: {  	_ =	shalt  }
0x78: {  	_ =	shalt  }
0x79: {  	_ =	shalt  }
0x7a: {  	_ =	shalt  }
0x7b: {  	_ =	shalt  }
0x7c: {  	_ =	shalt  }
0x7d: {  	_ =	shalt  }
0x7e: {  	_ =	shalt  }
0x7f: {  	_ =	shalt  }
0x80: {  	_ =	shalt  }
0x81: {  	_ =	shalt  }
0x82: {  	_ =	shalt  }
0x83: {  	_ =	shalt  }
0x84: {  	_ =	shalt  }
0x85: {  	_ =	shalt  }
0x86: {  	_ =	shalt  }
0x87: {  	_ =	shalt  }
.Lfunc_end0:
.L_simem_size_0:
called_computation_lowered:
.L_overlay_start_0:
0x88: {  	s2 =	sld [smem:$0x3FD9]  }
0x89: {  	s3 =	sld [smem:$0x3FFE];
	_ =	sdelay $0x1  }
0x8a: {  	s1 =	srdreg.scid  }
0x8b: {  	s0 =	sand.u32 $0x1, s1  }
0x8c: {  	s17 =	sshll.u32 s0, $0xA;
	s2 =	sadd.s32 s3, s2  }
0x8d: {  	s2 =	sadd.s32 s2, s17  }
0x8e: {  	[smem:$0x3FB5] =	sst s2  }
0x8f: {  	_ = 	snop  }
0x90: {  	s2 =	sld [smem:$0x3FC9]  }
0x91: {  	s18 =	sld [smem:$0x3FC7]  }
0x92: {  	s4 =	sld [smem:$0x3FC6]  }
0x93: {  	s5 =	sld [smem:$0x3FC5];
	(tm) =	ssettm $0x1  }
0x94: {  	s6 =	sld [smem:$0x3FFB];
	_ =	sdelay $0x3  }
0x95: {  	_ =	strace s6  }
0x96: {  	s6 =	sld [smem:$0x3FFC];
	_ =	sdelay $0x3  }
0x97: {  	_ =	strace s6  }
0x98: {  	s6 =	sld [smem:$0x3FFD];
	_ =	sdelay $0x3  }
0x99: {  	_ =	strace s6  }
0x9a: {  	_ =	strace $0x8FFFFFFF  }
0x9b: {  	s19 =	sld [smem:$0x3FDB];
	_ =	sdelay $0x1  }
0x9c: {  	s7 =	simm.s32 $_scs_section_size  }
0x9d: {  	s8 =	simm.s32 $_size__tile_overlayer_lowered;
	s9 =	simm.s32 $_tile_overlayer_lowered  }
0x9e: {  	s22 =	simm.s32 $0x1BFF;
	s21 =	sshll.u32 s9, $0x1;
	s6 =	sadd.s32 s7, s19  }
0x9f: {  	s10 =	simm.s32 $0x0;
	s20 =	sshll.u32 s8, $0x1;
	s8 =	sadd.s32 s21, s6  }
0xa0: {  	[timem:s10], [sflag:s22] =	dma.local [hbm:s8], s20  }
0xa1: {  	_ =	swait.ge [sflag:s22], s20  }
0xa2: {  	s7 =	ssub.s32 $0x0, s20;
	[sflag:s22] =	ssyncset.done $0x0  }
0xa3: {  	[sflag:s22] =	ssyncadd.s32 s7;
	_ =	sdelay $0x1  }
0xa4: {  	s23 =	simm.s32 $0x1B8B  }
0xa5: {  	_ =	swait.ge [sflag:s23], $0x1  }
0xa6: {  	[sflag:s23] =	ssyncset.done $0x0  }
0xa7: {  	s25 =	simm.s32 $0x1B8E;
	s24 =	sld [smem:$0x3FFE];
	[sflag:s23] =	ssyncadd.s32 $0xFFFFFFFF  }
0xa8: {  	s26 =	simm.s32 $execute0_lowered;
	[smem:$0x3FD2] =	sst s25  }
0xa9: {  	s8 =	sshll.u32 s26, $0x1;
	_ =	strace $0x80000046;
	[dreg:$0x1] =	wrdreg $0xFFFFFFFF  }
0xaa: {  	s28 =	simm.s32 $_size_execute0_lowered;
	s6 =	sadd.s32 s6, s8;
	[dreg:$0x0] =	wrdreg $0x0  }
0xab: {  	s8 =	sshll.u32 s28, $0x1;
	[dreg:$0x2] =	wrdreg s6  }
0xac: {  	[dreg:$0x3] =	wrdreg s8  }
0xad: {  	[dreg:$0x4] =	wrdreg $0xC0  }
0xae: {  	_ =	task [dreg:s10], $0x5FFFF  }
0xaf: {  	[dreg:$0x1] =	wrdreg $0xFFFFFFFF  }
0xb0: {  	[dreg:$0x0] =	wrdreg $0x60  }
0xb1: {  	[dreg:$0x2] =	wrdreg s18  }
0xb2: {  	[dreg:$0x3] =	wrdreg s4  }
0xb3: {  	[dreg:$0x4] =	wrdreg s2  }
0xb4: {  	[dreg:$0x5] =	wrdreg s5  }
0xb5: {  	[dreg:$0x6] =	wrdreg s24  }
0xb6: {  	[dreg:$0x7] =	wrdreg $0x0  }
0xb7: {  	[dreg:$0x8] =	wrdreg $0x9  }
0xb8: {  	_ =	task.clear_ibuf [dreg:s10], $0x9FFFF;
	_ =	strace $0x90000046  }
0xb9: {  	s29 =	simm.s32 $0x9;
	_ =	strace $0x80000048  }
0xba: {  	_ =	swait.ge [sflag:s29], $0x1  }
0xbb: {  	[sflag:s29] =	ssyncadd.s32 $0xFFFFFFFF  }
0xbc: {  	_ =	strace $0x90000048  }
0xbd: {  	_ =	sfence  }
0xbe: {  	s30 =	sld [smem:$0x0];
	_ =	sdelay $0x2  }
0xbf: {  	s31 =	sshll.u32 s1, $0xD;
	s1 =	sshrl.u32 s1, $0x2  }
0xc0: {  	s3 =	sand.u32 $0x4000, s31;
	s1 =	sadd.s32 s1, s30  }
0xc1: {  	s0 =	sor.u32 s3, s0;
	s1 =	sshll.u32 s1, $0x11  }
0xc2: {  	s0 =	sor.u32 s1, s0  }
0xc3: {  	s0 =	sadd.s32 $0x8F2B, s0  }
0xc4: {  	[sflag:s0] =	ssyncadd.remote.s32 $0x1  }
0xc5: {  	_ =	sfence.sel $0xFFFF  }
0xc6: {  	[dreg:$0x0] =	wrdreg $0xFFFFFFFF;
	(pc) =	sbr.abs _section_cstart, $3  }
0xc7: {  	[dreg:$0x1] =	wrdreg $0xFFFFFFFF  }
0xc8: {  	_ =	task.clear_ibuf [dreg:s10], $0x2FFFF;
	_ =	strace $0x9FFFFFFF  }
0xc9: {  	(tm) =	ssettm $0x7FFFFFFF  }
tec
execute0_lowered:
.L_overlay_start_1:
0x0: {  	(tag) =	ssettag $0x1  }
0x1: {  	s0 =	rddreg [dreg:$0x0]  }
0x2: {  	s2 =	rddreg [dreg:$0x1]  }
0x3: {  	s1 =	rddreg [dreg:$0x4]  }
0x4: {  	s5 =	rddreg [dreg:$0x5]  }
0x5: {  	s6 =	simm.s32 $0x0;
	s3 =	srdreg.scid;
	s4 =	stileid.u32  }
0x6: {  	s19 =	simm.s32 $0x4;
	s20 =	simm.s32 $0xA178;
	s22 =	simm.s32 $0x80  }
0x7: {  	s23 =	simm.s32 $0xA0F8;
	s24 =	simm.s32 $0x1;
	s25 =	simm.s32 $0xC8F8  }
0x8: {  	s30 =	simm.s32 $0x2;
	s31 =	simm.s32 $0x3;
	[smem:$0x7FF] =	sst s6  }
0x9: {  	s3 =	sand.u32 $0x1, s3;
	s8 =	sshll.u32 s4, $0x1;
	s7 =	sadd.s32 $0x600, s1  }
0xa: {  	s10 =	sadd.s32 $0x14600, s1;
	s26 =	smul.u32 $0x9C4, s4;
	s13 =	sadd.s32 $0xA240, s1  }
0xb: {  	s28 =	sadd.s32 $0x14240, s1;
	p0 =	sne.s32 s4, $0x0;
	_ =	strace $0x80000047  }
0xc: {  	s11 =	ssub.s32 $0x2, s3;
	s3 =	sor.u32 s3, s8;
	[dreg:$0x7] =	wrdreg s13  }
0xd: {  	s8 =	sadd.s32 $0xA600, s1;
	[dreg:$0x8] =	wrdreg s28;
	s1 =	sadd.s32 $0x1E240, s1  }
0xe: {  	s12 =	sshrl.u32 s11, $0x1;
	s9 =	smul.u32 $0x2710, s3;
	[dreg:$0x9] =	wrdreg s1  }
0xf: {  	s14 =	sadd.s32 s2, s26;
	p1 =	sne.s32 s3, $0x0;
	s26 =	simm.s32 $0xF078  }
0x10: {  	s1 =	simm.s32 $0x0;
	s11 =	ssub.s32 s11, s12;
	s29 =	sshrl.u32 s9, $0x3  }
0x11: {  	v0 =	vimm.f32 $1.000000000e+00;
	v1 =	vimm.s32 $0x2710;
	v2 =	vimm.f32 $0.0e+00;
	s17 =	smax.u32 s11, $0x1;
	s15 =	sadd.s32 s0, s29;
	s16 =	sadd.s32 s2, s29  }
.LBB2_1:
0x12: {  	[tilespmem:$0xA0F8] =	vst v0  }
0x13: {  	[tilespmem:$0xA108] =	vst v0  }
0x14: {  	[tilespmem:$0xA118] =	vst v0  }
0x15: {  	[tilespmem:$0xA128] =	vst v0  }
0x16: {  	[tilespmem:$0xA138] =	vst v0  }
0x17: {  	[tilespmem:$0xA148] =	vst v0  }
0x18: {  	[tilespmem:$0xA158] =	vst v0  }
0x19: {  	[tilespmem:$0xA168] =	vst v0  }
0x1a: {  	[tilespmem:$0x5098] =	vst v1  }
.Ltmp0:
0x1b: {  	[tilespmem:$0x50A8] =	vst v1;
	(pc) =	sbr.rel @p1 .LBB2_5-.Ltmp0, $4  }
0x1c: {  	[tilespmem:$0x50B8] =	vst v1  }
0x1d: {  	[tilespmem:$0x50C8] =	vst v1  }
0x1e: {  	[tilespmem:$0x50D8] =	vst v1  }
0x1f: {  	[tilespmem:$0x50E8] =	vst v1  }
0x20: {  	s3 =	simm.s32 $0x40;
	s4 =	simm.s32 $0x0  }
.LBB2_3:
0x21: {  	p2 =	sne.s32 s3, $0x77C0;
	[tilespmem:s4+$0x167F8] =	vst v2;
	s4 =	smov.u32 s3;
	s3 =	sadd.s32 $0x40, s3  }
.Ltmp1:
0x22: {  	(pc) =	sbr.rel @p2 .LBB2_3-.Ltmp1, $2  }
0x23: {  	_ =	sdelay $0x2  }
0x24: {  	s4 =	sshra.s32 s4, $0x2  }
0x25: {  	[tilespmem:s4+$0x167F8] =	vst v2;
	s3 =	rddreg [dreg:$0x7];
	s21 =	simm.s32 $0x167F8  }
0x26: {  	[hbm4b:s3+s6] =	stream.linear.scatter [tilespmem:s21], [sflag:$0x4], $0x1E00, $0x38;
	[tilespmem:$0x185F8] =	vst v63  }
0x27: {  	_ =	swait.ge [sflag:s19], $0x1E00  }
0x28: {  	[sflag:s19] =	ssyncset.done $0x0  }
0x29: {  	s28 =	rddreg [dreg:$0x8];
	[sflag:s19] =	ssyncadd.s32 $0xFFFFE200  }
0x2a: {  	[hbm4b:s28+s6] =	stream.linear.scatter [tilespmem:s21], [sflag:$0x4], $0x1E00, $0x38;
	[tilespmem:$0x185F8] =	vst v63  }
0x2b: {  	_ =	swait.ge [sflag:s19], $0x1E00  }
0x2c: {  	[sflag:s19] =	ssyncset.done $0x0  }
0x2d: {  	s29 =	rddreg [dreg:$0x9];
	[sflag:s19] =	ssyncadd.s32 $0xFFFFE200  }
0x2e: {  	[hbm4b:s29+s6] =	stream.linear.scatter [tilespmem:s21], [sflag:$0x4], $0x1E00, $0x38;
	[tilespmem:$0x185F8] =	vst v63  }
0x2f: {  	_ =	swait.ge [sflag:s19], $0x1E00  }
0x30: {  	[sflag:s19] =	ssyncset.done $0x0  }
0x31: {  	[sflag:s19] =	ssyncadd.s32 $0xFFFFE200  }
.LBB2_5:
.Ltmp2:
0x32: {  	(pc) =	sbr.rel @p0 .LBB2_9-.Ltmp2, $1  }
0x33: {  	_ =	sdelay $0x3  }
0x34: {  	s3 =	simm.s32 $0x40;
	s4 =	simm.s32 $0x0  }
.LBB2_7:
0x35: {  	p2 =	sne.s32 s3, $0x9C40;
	[tilespmem:s4+$0xA178] =	vst v2;
	s4 =	smov.u32 s3;
	s3 =	sadd.s32 $0x40, s3  }
.Ltmp3:
0x36: {  	(pc) =	sbr.rel @p2 .LBB2_7-.Ltmp3, $2  }
0x37: {  	_ =	sdelay $0x2  }
0x38: {  	s4 =	sshra.s32 s4, $0x2  }
0x39: {  	[tilespmem:s4+$0xA178] =	vst v2  }
0x3a: {  	[spmem:s5] =	stream.linear.scatter [tilespmem:s20], [sflag:$0x4], $0x2780, $0x38;
	[tilespmem:$0x185F8] =	vst v63  }
0x3b: {  	_ =	swait.ge [sflag:s19], $0x2780  }
0x3c: {  	[sflag:s19] =	ssyncset.done $0x0  }
0x3d: {  	[sflag:s19] =	ssyncadd.s32 $0xFFFFD880  }
.LBB2_9:
0x3e: {  	s3 =	simm.s32 $0x278  }
0x3f: {  	[tilespmem:s3], [sflag:$0x4] =	stream.linear.gather [hbm4b:s14+s6], $0x4E20, $0x38;
	[tilespmem:$0x185F8] =	vst v63  }
0x40: {  	_ =	swait.ge [sflag:s19], $0x4E20  }
0x41: {  	[sflag:s19] =	ssyncset.done $0x0  }
0x42: {  	s11 =	simm.s32 $0x2B8;
	[sflag:s19] =	ssyncadd.s32 $0xFFFFB1E0  }
0x43: {  	v6 =	vld [tilespmem:s11+$0x30]  }
0x44: {  	v7 =	vld [tilespmem:s11+$0xFFFFFFD0]  }
0x45: {  	v8 =	vld [tilespmem:s11+$0xFFFFFFE0]  }
0x46: {  	v3 =	vld [tilespmem:s11+$0xFFFFFFF0]  }
0x47: {  	s3 =	simm.s32 $0x5138;
	v4 =	vld [tilespmem:s11+$0x0]  }
0x48: {  	v5 =	vld [tilespmem:s11+$0x10];
	[tilespmem:s3+$0x30] =	vst v6  }
0x49: {  	[tilespmem:s3+$0xFFFFFFD0] =	vst v7;
	v6 =	vld [tilespmem:s11+$0x20]  }
0x4a: {  	s4 =	simm.s32 $0x0;
	v7 =	vld [tilespmem:s11+$0xFFFFFFC0];
	[tilespmem:s3+$0xFFFFFFE0] =	vst v8;
	s11 =	simm.s32 $0x338  }
.LBB2_10:
0x4b: {  	v8 =	vld [tilespmem:s11+$0x30];
	s4 =	sadd.s32 $0x8, s4;
	[tilespmem:s3+$0xFFFFFFF0] =	vst v3  }
0x4c: {  	v9 =	vld [tilespmem:s11+$0xFFFFFFD0];
	p2 =	slt.u32 s4, $0x4E0;
	[tilespmem:s3+$0x0] =	vst v4  }
0x4d: {  	v10 =	vld [tilespmem:s11+$0xFFFFFFE0];
	[tilespmem:s3+$0x10] =	vst v5  }
.Ltmp4:
0x4e: {  	v3 =	vld [tilespmem:s11+$0xFFFFFFF0];
	[tilespmem:s3+$0x20] =	vst v6;
	(pc) =	sbr.rel @p2 .LBB2_10-.Ltmp4, $4  }
0x4f: {  	v4 =	vld [tilespmem:s11+$0x0];
	[tilespmem:s3+$0xFFFFFFC0] =	vst v7;
	s3 =	sadd.s32 $0x80, s3  }
0x50: {  	v5 =	vld [tilespmem:s11+$0x10];
	[tilespmem:s3+$0x30] =	vst v8  }
0x51: {  	[tilespmem:s3+$0xFFFFFFD0] =	vst v9;
	v6 =	vld [tilespmem:s11+$0x20]  }
0x52: {  	v7 =	vld [tilespmem:s11+$0xFFFFFFC0];
	[tilespmem:s3+$0xFFFFFFE0] =	vst v10;
	s11 =	sadd.s32 $0x80, s11  }
0x53: {  	[tilespmem:s3+$0xFFFFFFF0] =	vst v3  }
0x54: {  	[tilespmem:s3+$0x0] =	vst v4  }
0x55: {  	[tilespmem:s3+$0x10] =	vst v5  }
0x56: {  	[tilespmem:s3+$0x20] =	vst v6  }
0x57: {  	p2 =	por $0x1, $0x1;
	[tilespmem:s3+$0xFFFFFFC0] =	vst v7  }
0x58: {  	s11 =	simm.s32 @!p2 $0x1;
	s3 =	simm.s32 $0x50F8;
	[bflag:$0x0] =	sbarrier.arrive $0xFFFF  }
0x59: {  	[spmem:s5] =	stream.indirect.scatter.add.f32 [tilespmem:s23], [sflag:$0x1], $0x1, s3, s22, $0xb8;
	[tilespmem:$0x185F8] =	vst v63  }
0x5a: {  	_ =	swait.ge @!p2 [sflag:s11], $0x80  }
0x5b: {  	s4 =	simm.s32 $0x1;
	[sflag:s11] =	ssyncset.done @!p2 $0x0  }
.LBB2_12:
0x5c: {  	[sflag:s11] =	ssyncadd.s32 @!p2 $0xFFFFFF80  }
0x5d: {  	s3 =	sadd.s32 $0x80, s3;
	s11 =	smov.u32 s4;
	s4 =	sadd.s32 $0x1, s4  }
0x5e: {  	p3 =	sne.s32 s4, $0x9D  }
0x5f: {  	[spmem:s5] =	stream.indirect.scatter.add.f32 [tilespmem:s23], [sflag:$0x1], $0x1, s3, s22, $0xb8;
	[tilespmem:$0x185F8] =	vst v63  }
.Ltmp5:
0x60: {  	_ = 	snop;
	(pc) =	sbr.rel @p3 .LBB2_12-.Ltmp5, $4  }
0x61: {  	p2 =	slt.u32 s11, $0x10  }
0x62: {  	s11 =	simm.s32 @!p2 $0x1  }
0x63: {  	_ =	swait.ge @!p2 [sflag:s11], $0x80  }
0x64: {  	[sflag:s11] =	ssyncset.done @!p2 $0x0  }
0x65: {  	[sflag:s11] =	ssyncadd.s32 @!p2 $0xFFFFFF80  }
0x66: {  	_ =	swait.ge [sflag:s24], $0x80  }
0x67: {  	[sflag:s24] =	ssyncset.done $0x0  }
0x68: {  	[sflag:s24] =	ssyncadd.s32 $0xFFFFFF80  }
0x69: {  	_ =	swait.ge [sflag:s24], $0x80  }
0x6a: {  	[sflag:s24] =	ssyncset.done $0x0  }
0x6b: {  	[sflag:s24] =	ssyncadd.s32 $0xFFFFFF80  }
0x6c: {  	_ =	swait.ge [sflag:s24], $0x80  }
0x6d: {  	[sflag:s24] =	ssyncset.done $0x0  }
0x6e: {  	[sflag:s24] =	ssyncadd.s32 $0xFFFFFF80  }
0x6f: {  	_ =	swait.ge [sflag:s24], $0x80  }
0x70: {  	[sflag:s24] =	ssyncset.done $0x0  }
0x71: {  	[sflag:s24] =	ssyncadd.s32 $0xFFFFFF80  }
0x72: {  	_ =	swait.ge [sflag:s24], $0x80  }
0x73: {  	[sflag:s24] =	ssyncset.done $0x0  }
0x74: {  	[sflag:s24] =	ssyncadd.s32 $0xFFFFFF80  }
0x75: {  	_ =	swait.ge [sflag:s24], $0x80  }
0x76: {  	[sflag:s24] =	ssyncset.done $0x0  }
0x77: {  	[sflag:s24] =	ssyncadd.s32 $0xFFFFFF80  }
0x78: {  	_ =	swait.ge [sflag:s24], $0x80  }
0x79: {  	[sflag:s24] =	ssyncset.done $0x0  }
0x7a: {  	[sflag:s24] =	ssyncadd.s32 $0xFFFFFF80  }
0x7b: {  	_ =	swait.ge [sflag:s24], $0x80  }
0x7c: {  	[sflag:s24] =	ssyncset.done $0x0  }
0x7d: {  	[sflag:s24] =	ssyncadd.s32 $0xFFFFFF80  }
0x7e: {  	_ =	swait.ge [sflag:s24], $0x80  }
0x7f: {  	[sflag:s24] =	ssyncset.done $0x0  }
0x80: {  	[sflag:s24] =	ssyncadd.s32 $0xFFFFFF80  }
0x81: {  	_ =	swait.ge [sflag:s24], $0x80  }
0x82: {  	[sflag:s24] =	ssyncset.done $0x0  }
0x83: {  	[sflag:s24] =	ssyncadd.s32 $0xFFFFFF80  }
0x84: {  	_ =	swait.ge [sflag:s24], $0x80  }
0x85: {  	[sflag:s24] =	ssyncset.done $0x0  }
0x86: {  	[sflag:s24] =	ssyncadd.s32 $0xFFFFFF80  }
0x87: {  	_ =	swait.ge [sflag:s24], $0x80  }
0x88: {  	[sflag:s24] =	ssyncset.done $0x0  }
0x89: {  	[sflag:s24] =	ssyncadd.s32 $0xFFFFFF80  }
0x8a: {  	_ =	swait.ge [sflag:s24], $0x80  }
0x8b: {  	[sflag:s24] =	ssyncset.done $0x0  }
0x8c: {  	[sflag:s24] =	ssyncadd.s32 $0xFFFFFF80  }
0x8d: {  	_ =	swait.ge [sflag:s24], $0x80  }
0x8e: {  	[sflag:s24] =	ssyncset.done $0x0  }
0x8f: {  	[sflag:s24] =	ssyncadd.s32 $0xFFFFFF80  }
0x90: {  	_ =	swait.ge [sflag:s24], $0x80  }
0x91: {  	[sflag:s24] =	ssyncset.done $0x0  }
0x92: {  	[sflag:s24] =	ssyncadd.s32 $0xFFFFFF80  }
0x93: {  	_ =	swait.ge [sflag:s24], $0x80  }
0x94: {  	[sflag:s24] =	ssyncset.done $0x0  }
0x95: {  	[sflag:s24] =	ssyncadd.s32 $0xFFFFFF80  }
0x96: {  	[bflag:$0x0] =	sbarrier.arrive $0xFFFF  }
0x97: {  	[tilespmem:s20], [sflag:$0x4] =	stream.linear.gather [spmem:s5], $0x2780, $0x38;
	[tilespmem:$0x185F8] =	vst v63  }
0x98: {  	_ =	swait.ge [sflag:s19], $0x2780  }
0x99: {  	[sflag:s19] =	ssyncset.done $0x0  }
0x9a: {  	s11 =	simm.s32 $0xA198;
	[sflag:s19] =	ssyncadd.s32 $0xFFFFD880  }
0x9b: {  	v3 =	vld [tilespmem:s11+$0x10]  }
0x9c: {  	v4 =	vld [tilespmem:s11+$0x0];
	_ =	sdelay $0x2  }
0x9d: {  	v5 =	vld [tilespmem:s11+$0xFFFFFFF0]  }
0x9e: {  	s3 =	simm.s32 $0xA1D8;
	v6 =	vld [tilespmem:s11+$0xFFFFFFE0];
	v3 =	vmax.f32 v3, $1.000000000e+00  }
0x9f: {  	v4 =	vmax.f32 v4, $1.000000000e+00;
	(erf) = vrcp.f32 v3;
	v3 =	vld [tilespmem:s3+$0x10]  }
0xa0: {  	(erf) = vrcp.f32 v4;
	v4 =	vld [tilespmem:s3+$0x0]  }
0xa1: {  	v7 =	vld [tilespmem:s3+$0xFFFFFFF0]  }
0xa2: {  	v8 =	vld [tilespmem:s3+$0xFFFFFFE0];
	v5 =	vmax.f32 v5, $1.000000000e+00  }
0xa3: {  	v6 =	vmax.f32 v6, $1.000000000e+00;
	(erf) = vrcp.f32 v5  }
0xa4: {  	s4 =	simm.s32 $0xA218;
	(erf) = vrcp.f32 v6;
	v3 =	vmax.f32 v3, $1.000000000e+00  }
0xa5: {  	v9 =	vld [tilespmem:s4+$0x10];
	v4 =	vmax.f32 v4, $1.000000000e+00;
	(erf) = vrcp.f32 v3  }
0xa6: {  	v5 =	vmax.f32 v7, $1.000000000e+00;
	(erf) = vrcp.f32 v4  }
0xa7: {  	v6 =	vmax.f32 v8, $1.000000000e+00;
	v3 =	vld [tilespmem:s4+$0xFFFFFFF0];
	(erf) = vrcp.f32 v5  }
0xa8: {  	v4 =	vld [tilespmem:s4+$0x0];
	v7 =	vpop (erf);
	(erf) = vrcp.f32 v6  }
0xa9: {  	v5 =	vld [tilespmem:s4+$0xFFFFFFE0]  }
0xaa: {  	s12 =	simm.s32 $0x8;
	s13 =	simm.s32 $0xA258;
	v6 =	vmax.f32 v9, $1.000000000e+00;
	[tilespmem:s11+$0x10] =	vst v7;
	v7 =	vpop (erf)  }
.LBB2_14:
0xab: {  	s12 =	sadd.s32 $0x4, s12  }
0xac: {  	v8 =	vld [tilespmem:s13+$0x10];
	[tilespmem:s11+$0x0] =	vst v7;
	v7 =	vpop (erf);
	p2 =	slt.u32 s12, $0x26C  }
.Ltmp6:
0xad: {  	v9 =	vmax.f32 v3, $1.000000000e+00;
	v3 =	vld [tilespmem:s13+$0xFFFFFFF0];
	v10 =	vmax.f32 v4, $1.000000000e+00;
	(erf) = vrcp.f32 v6;
	[tilespmem:s11+$0xFFFFFFF0] =	vst v7;
	v6 =	vpop (erf);
	(pc) =	sbr.rel @p2 .LBB2_14-.Ltmp6, $4  }
0xae: {  	v4 =	vld [tilespmem:s13+$0x0];
	v11 =	vmax.f32 v5, $1.000000000e+00;
	(erf) = vrcp.f32 v10;
	[tilespmem:s11+$0xFFFFFFE0] =	vst v6;
	s11 =	smov.u32 s3;
	s3 =	smov.u32 s4;
	s4 =	smov.u32 s13  }
0xaf: {  	v5 =	vld [tilespmem:s13+$0xFFFFFFE0];
	(erf) = vrcp.f32 v9  }
0xb0: {  	(erf) = vrcp.f32 v11;
	v7 =	vpop (erf)  }
0xb1: {  	s13 =	sadd.s32 $0x40, s13;
	v6 =	vmax.f32 v8, $1.000000000e+00;
	[tilespmem:s11+$0x10] =	vst v7;
	v7 =	vpop (erf)  }
0xb2: {  	_ = 	snop  }
0xb3: {  	(erf) = vrcp.f32 v6;
	v3 =	vmax.f32 v3, $1.000000000e+00;
	v4 =	vmax.f32 v4, $1.000000000e+00  }
0xb4: {  	(erf) = vrcp.f32 v4  }
0xb5: {  	v62 =	vmax.f32 v5, $1.000000000e+00;
	(erf) = vrcp.f32 v3  }
0xb6: {  	[tilespmem:s11+$0x0] =	vst v7;
	v3 =	vpop (erf);
	(erf) = vrcp.f32 v62  }
0xb7: {  	v63 =	vpop (erf);
	[tilespmem:s11+$0xFFFFFFF0] =	vst v3  }
0xb8: {  	[tilespmem:s11+$0xFFFFFFE0] =	vst v63;
	v3 =	vpop (erf)  }
0xb9: {  	[tilespmem:s3+$0x10] =	vst v3;
	v3 =	vpop (erf)  }
0xba: {  	[tilespmem:s3+$0x0] =	vst v3;
	v3 =	vpop (erf)  }
0xbb: {  	[tilespmem:s3+$0xFFFFFFF0] =	vst v3;
	v3 =	vpop (erf)  }
0xbc: {  	[tilespmem:s3+$0xFFFFFFE0] =	vst v3;
	v3 =	vpop (erf)  }
0xbd: {  	[tilespmem:s4+$0x10] =	vst v3;
	v3 =	vpop (erf)  }
0xbe: {  	[tilespmem:s4+$0x0] =	vst v3;
	v3 =	vpop (erf)  }
0xbf: {  	[tilespmem:s4+$0xFFFFFFF0] =	vst v3;
	v3 =	vpop (erf)  }
0xc0: {  	s3 =	simm.s32 $0x0;
	[tilespmem:s4+$0xFFFFFFE0] =	vst v3  }
.LBB2_16:
0xc1: {  	s4 =	sshra.s32 s3, $0x2  }
0xc2: {  	v3 =	vld [tilespmem:s4+$0xC878];
	_ =	sdelay $0x4  }
0xc3: {  	v3 =	vmax.f32 v3, $1.000000000e+00  }
0xc4: {  	(erf) = vrcp.f32 v3;
	_ =	sdelay $0x4  }
0xc5: {  	p2 =	sne.s32 s3, $0x40  }
.Ltmp7:
0xc6: {  	_ = 	snop;
	(pc) =	sbr.rel @p2 .LBB2_16-.Ltmp7, $3  }
0xc7: {  	_ =	sdelay $0x1  }
0xc8: {  	v3 =	vpop (erf)  }
0xc9: {  	s3 =	sadd.s32 $0x40, s3;
	[tilespmem:s4+$0xC878] =	vst v3  }
0xca: {  	s3 =	simm.s32 $0x0;
	s4 =	rddreg [dreg:$0x2]  }
0xcb: {  	[tilespmem:s25], [sflag:$0x4] =	stream.linear.gather [hbm4b:s4+s3], $0x2780, $0x38;
	[tilespmem:$0x185F8] =	vst v63  }
0xcc: {  	_ =	swait.ge [sflag:s19], $0x2780  }
0xcd: {  	[sflag:s19] =	ssyncset.done $0x0  }
0xce: {  	[sflag:s19] =	ssyncadd.s32 $0xFFFFD880  }
0xcf: {  	s21 =	rddreg [dreg:$0x3]  }
0xd0: {  	[tilespmem:s26], [sflag:$0x4] =	stream.linear.gather [hbm4b:s21+s3], $0x2780, $0x38;
	[tilespmem:$0x185F8] =	vst v63  }
0xd1: {  	_ =	swait.ge [sflag:s19], $0x2780  }
0xd2: {  	[sflag:s19] =	ssyncset.done $0x0  }
0xd3: {  	s28 =	simm.s32 $0x117F8;
	[sflag:s19] =	ssyncadd.s32 $0xFFFFD880  }
0xd4: {  	[tilespmem:s28], [sflag:$0x2] =	stream.linear.gather [hbm4b:s15+s3], $0x7D0, $0x38;
	[tilespmem:$0x185F8] =	vst v63  }
0xd5: {  	s29 =	simm.s32 $0x127F8  }
0xd6: {  	[tilespmem:s29], [sflag:$0x2] =	stream.linear.gather [hbm4b:s16+s3], $0x7D0, $0x38;
	[tilespmem:$0x185F8] =	vst v63  }
.LBB2_18:
0xd7: {  	_ =	swait.ge [sflag:s30], $0x7D0  }
0xd8: {  	[sflag:s30] =	ssyncset.done $0x0  }
0xd9: {  	[sflag:s30] =	ssyncadd.s32 $0xFFFFF830  }
0xda: {  	_ =	swait.ge [sflag:s30], $0x7D0  }
0xdb: {  	p2 =	seq.s32 s3, $0x0;
	[sflag:s30] =	ssyncset.done $0x0  }
0xdc: {  	s4 =	simm.s32 @!p2 $0x3;
	[sflag:s30] =	ssyncadd.s32 $0xFFFFF830  }
0xdd: {  	_ =	swait.ge @!p2 [sflag:s4], $0x7D0  }
0xde: {  	[sflag:s4] =	ssyncset.done @!p2 $0x0  }
0xdf: {  	p3 =	seq.s32 @!p2 s3, $0x4;
	[sflag:s4] =	ssyncadd.s32 @!p2 $0xFFFFF830  }
0xe0: {  	p3 =	por p2, !p3;
	_ =	swait.ge @!p2 [sflag:s4], $0x7D0  }
.Ltmp8:
0xe1: {  	[sflag:s4] =	ssyncset.done @!p2 $0x0;
	(pc) =	sbr.rel @!p3 .LBB2_20-.Ltmp8, $4  }
0xe2: {  	[sflag:s4] =	ssyncadd.s32 @!p2 $0xFFFFF830  }
0xe3: {  	_ =	swait.ge @!p2 [sflag:s4], $0x7D0  }
0xe4: {  	[sflag:s4] =	ssyncset.done @!p2 $0x0  }
0xe5: {  	s11 =	simm.s32 @!p2 $0x5;
	[sflag:s4] =	ssyncadd.s32 @!p2 $0xFFFFF830  }
0xe6: {  	s11 =	sadd.s32 @!p2 $0x1, s3  }
0xe7: {  	s11 =	simm.s32 @p2 $0x1  }
0xe8: {  	s4 =	smul.u32 $0x7D0, s11  }
0xe9: {  	s12 =	sand.u32 $0x1, s11  }
0xea: {  	p2 =	seq.s32 s12, $0x1;
	s12 =	simm.s32 $0x7D0;
	s4 =	sadd.s32 s9, s4  }
0xeb: {  	s12 =	simm.s32 @!p2 $0x0;
	s4 =	sshrl.u32 s4, $0x3  }
0xec: {  	s13 =	sadd.s32 $0x117F8, s12;
	s18 =	sadd.s32 s0, s4  }
0xed: {  	[tilespmem:s13], [sflag:$0x2] =	stream.linear.gather [hbm4b:s18+s6], $0x7D0, $0x38;
	[tilespmem:$0x185F8] =	vst v63  }
0xee: {  	s12 =	sadd.s32 $0x127F8, s12;
	s4 =	sadd.s32 s2, s4  }
0xef: {  	[tilespmem:s12], [sflag:$0x2] =	stream.linear.gather [hbm4b:s4+s6], $0x7D0, $0x38;
	[tilespmem:$0x185F8] =	vst v63  }
.LBB2_20:
0xf0: {  	s4 =	sand.u32 $0x1, s3  }
0xf1: {  	s12 =	simm.s32 $0x7D0;
	p2 =	seq.s32 s4, $0x1  }
0xf2: {  	s12 =	simm.s32 @!p2 $0x0  }
0xf3: {  	s18 =	sadd.s32 $0x11818, s12  }
0xf4: {  	s13 =	sadd.s32 $0x12818, s12;
	v3 =	vld [tilespmem:s18+$0x10]  }
0xf5: {  	v4 =	vld [tilespmem:s13+$0x10]  }
0xf6: {  	v5 =	vld [tilespmem:s13+$0xFFFFFFE0]  }
0xf7: {  	v6 =	vld [tilespmem:s18+$0xFFFFFFF0]  }
0xf8: {  	v8 =	vld [tilespmem:s13+$0xFFFFFFF0]  }
0xf9: {  	v7 =	vld [tilespmem:s18+$0x0]  }
0xfa: {  	v9 =	vld [tilespmem:s13+$0x0]  }
0xfb: {  	v10 =	vld [tilespmem:s18+$0xFFFFFFE0]  }
0xfc: {  	v3 =	vld.idx.msk [tilespmem:v3+s25+$0x0], $0xffff  }
0xfd: {  	v11 =	vld.idx.msk [tilespmem:v4+s26+$0x0], $0xffff  }
0xfe: {  	v12 =	vld.idx.msk [tilespmem:v5+s26+$0x0], $0xffff  }
0xff: {  	v13 =	vld.idx.msk [tilespmem:v6+s25+$0x0], $0xffff  }
0x100: {  	v14 =	vld.idx.msk [tilespmem:v4+s20+$0x0], $0xffff  }
0x101: {  	v15 =	vld.idx.msk [tilespmem:v8+s26+$0x0], $0xffff  }
0x102: {  	v6 =	vld.idx.msk [tilespmem:v7+s25+$0x0], $0xffff  }
0x103: {  	v7 =	vld.idx.msk [tilespmem:v10+s25+$0x0], $0xffff;
	v3 =	vcvt.s32.f32 v3  }
0x104: {  	s21 =	sadd.s32 $0x13818, s12;
	v4 =	vld.idx.msk [tilespmem:v9+s26+$0x0], $0xffff;
	v10 =	vcvt.s32.f32 v11;
	v11 =	vcvt.s32.f32 v13  }
0x105: {  	[tilespmem:s21+$0x10] =	vst v3;
	v3 =	vld.idx.msk [tilespmem:v5+s20+$0x0], $0xffff  }
0x106: {  	s3 =	smul.u32 $0x7D0, s3;
	s4 =	sadd.s32 $0x14818, s12;
	v5 =	vld.idx.msk [tilespmem:v8+s20+$0x0], $0xffff;
	[tilespmem:s21+$0xFFFFFFF0] =	vst v11  }
0x107: {  	s28 =	sadd.s32 $0x15818, s12;
	[tilespmem:s4+$0x10] =	vst v10  }
0x108: {  	s29 =	simm.s32 $0x0;
	s3 =	sadd.s32 s9, s3;
	s18 =	sadd.s32 $0x40, s18;
	v9 =	vld.idx.msk [tilespmem:v9+s20+$0x0], $0xffff;
	v8 =	vcvt.s32.f32 v12;
	v10 =	vcvt.s32.f32 v15;
	[tilespmem:s28+$0x10] =	vst v14  }
.LBB2_21:
0x109: {  	v11 =	vld [tilespmem:s18+$0x10];
	v6 =	vcvt.s32.f32 v6;
	s13 =	sadd.s32 $0x40, s13  }
0x10a: {  	v7 =	vcvt.s32.f32 v7;
	v12 =	vld [tilespmem:s13+$0x10];
	[tilespmem:s4+$0xFFFFFFF0] =	vst v10  }
0x10b: {  	s29 =	sadd.s32 $0x4, s29;
	v4 =	vcvt.s32.f32 v4;
	v10 =	vld [tilespmem:s13+$0xFFFFFFE0];
	[tilespmem:s21+$0x0] =	vst v6  }
0x10c: {  	p2 =	slt.u32 s29, $0x78;
	v6 =	vld [tilespmem:s18+$0xFFFFFFF0];
	[tilespmem:s21+$0xFFFFFFE0] =	vst v7  }
0x10d: {  	v13 =	vld [tilespmem:s13+$0xFFFFFFF0];
	[tilespmem:s4+$0xFFFFFFE0] =	vst v8  }
0x10e: {  	v7 =	vld [tilespmem:s18+$0x0];
	[tilespmem:s28+$0xFFFFFFE0] =	vst v3  }
0x10f: {  	v14 =	vld [tilespmem:s13+$0x0];
	[tilespmem:s28+$0xFFFFFFF0] =	vst v5  }
0x110: {  	v3 =	vld [tilespmem:s18+$0xFFFFFFE0];
	[tilespmem:s4+$0x0] =	vst v4  }
0x111: {  	v4 =	vld.idx.msk [tilespmem:v11+s25+$0x0], $0xffff;
	[tilespmem:s28+$0x0] =	vst v9  }
0x112: {  	v5 =	vld.idx.msk [tilespmem:v12+s26+$0x0], $0xffff  }
0x113: {  	v8 =	vld.idx.msk [tilespmem:v10+s26+$0x0], $0xffff  }
0x114: {  	v9 =	vld.idx.msk [tilespmem:v6+s25+$0x0], $0xffff  }
0x115: {  	v11 =	vld.idx.msk [tilespmem:v12+s20+$0x0], $0xffff  }
0x116: {  	v12 =	vld.idx.msk [tilespmem:v13+s26+$0x0], $0xffff  }
0x117: {  	v15 =	vcvt.s32.f32 v4;
	v6 =	vld.idx.msk [tilespmem:v7+s25+$0x0], $0xffff  }
.Ltmp9:
0x118: {  	s21 =	sadd.s32 $0x40, s21;
	v5 =	vcvt.s32.f32 v5;
	v7 =	vld.idx.msk [tilespmem:v3+s25+$0x0], $0xffff;
	(pc) =	sbr.rel @p2 .LBB2_21-.Ltmp9, $4  }
0x119: {  	s4 =	sadd.s32 $0x40, s4;
	v8 =	vcvt.s32.f32 v8;
	v4 =	vld.idx.msk [tilespmem:v14+s26+$0x0], $0xffff;
	[tilespmem:s21+$0x10] =	vst v15  }
0x11a: {  	s28 =	sadd.s32 $0x40, s28;
	v9 =	vcvt.s32.f32 v9;
	v3 =	vld.idx.msk [tilespmem:v10+s20+$0x0], $0xffff;
	[tilespmem:s4+$0x10] =	vst v5  }
0x11b: {  	v5 =	vld.idx.msk [tilespmem:v13+s20+$0x0], $0xffff;
	[tilespmem:s28+$0x10] =	vst v11  }
0x11c: {  	s18 =	sadd.s32 $0x40, s18;
	v10 =	vcvt.s32.f32 v12;
	[tilespmem:s21+$0xFFFFFFF0] =	vst v9;
	v9 =	vld.idx.msk [tilespmem:v14+s20+$0x0], $0xffff  }
0x11d: {  	v6 =	vcvt.s32.f32 v6  }
0x11e: {  	v7 =	vcvt.s32.f32 v7;
	[tilespmem:s4+$0xFFFFFFF0] =	vst v10  }
0x11f: {  	[tilespmem:s21+$0x0] =	vst v6  }
0x120: {  	[tilespmem:s21+$0xFFFFFFE0] =	vst v7  }
0x121: {  	v4 =	vcvt.s32.f32 v4;
	[tilespmem:s4+$0xFFFFFFE0] =	vst v8  }
0x122: {  	[tilespmem:s28+$0xFFFFFFF0] =	vst v5  }
0x123: {  	[tilespmem:s4+$0x0] =	vst v4  }
0x124: {  	[tilespmem:s28+$0xFFFFFFE0] =	vst v3  }
0x125: {  	[tilespmem:s28+$0x0] =	vst v9  }
0x126: {  	v3 =	vld [tilespmem:s12+$0x11FB8]  }
0x127: {  	v4 =	vld [tilespmem:s12+$0x12FB8];
	_ =	sdelay $0x6  }
0x128: {  	v3 =	vld.idx.msk [tilespmem:v3+s25+$0x0], $0xffff  }
0x129: {  	v5 =	vld.idx.msk [tilespmem:v4+s26+$0x0], $0xffff  }
0x12a: {  	v4 =	vld.idx.msk [tilespmem:v4+s20+$0x0], $0xffff;
	_ =	sdelay $0x3  }
0x12b: {  	v3 =	vcvt.s32.f32 v3  }
0x12c: {  	v5 =	vcvt.s32.f32 v5;
	[tilespmem:s12+$0x15FB8] =	vst v4  }
0x12d: {  	s3 =	sshrl.u32 s3, $0x3;
	[tilespmem:s12+$0x13FB8] =	vst v3  }
0x12e: {  	s13 =	sadd.s32 $0x137F8, s12;
	p2 =	slt.u32 s11, $0x5;
	s18 =	sadd.s32 s7, s3;
	[tilespmem:s12+$0x14FB8] =	vst v5  }
0x12f: {  	[hbm4b:s18+s6] =	stream.linear.scatter [tilespmem:s13], [sflag:$0x3], $0x7D0, $0x38;
	[tilespmem:$0x185F8] =	vst v63  }
.Ltmp10:
0x130: {  	s21 =	sadd.s32 s8, s3;
	s28 =	sadd.s32 $0x147F8, s12;
	(pc) =	sbr.rel @p2 .LBB2_18-.Ltmp10, $4  }
0x131: {  	[hbm4b:s21+s6] =	stream.linear.scatter [tilespmem:s28], [sflag:$0x3], $0x7D0, $0x38;
	[tilespmem:$0x185F8] =	vst v63  }
0x132: {  	s29 =	sadd.s32 $0x157F8, s12;
	s3 =	sadd.s32 s10, s3  }
0x133: {  	[hbm4b:s3+s6] =	stream.linear.scatter [tilespmem:s29], [sflag:$0x3], $0x7D0, $0x38;
	[tilespmem:$0x185F8] =	vst v63  }
0x134: {  	s3 =	smov.u32 s11  }
0x135: {  	_ =	swait.ge [sflag:s31], $0x7D0  }
0x136: {  	[sflag:s31] =	ssyncset.done $0x0  }
0x137: {  	s1 =	sadd.s32 $0x1, s1;
	[sflag:s31] =	ssyncadd.s32 $0xFFFFF830  }
0x138: {  	p2 =	sne.s32 s1, s17;
	_ =	swait.ge [sflag:s31], $0x7D0  }
.Ltmp11:
0x139: {  	[sflag:s31] =	ssyncset.done $0x0;
	(pc) =	sbr.rel @p2 .LBB2_1-.Ltmp11, $4  }
0x13a: {  	[sflag:s31] =	ssyncadd.s32 $0xFFFFF830  }
0x13b: {  	_ =	swait.ge [sflag:s31], $0x7D0  }
0x13c: {  	[sflag:s31] =	ssyncset.done $0x0  }
0x13d: {  	[sflag:s31] =	ssyncadd.s32 $0xFFFFF830  }
0x13e: {  	_ =	sfence.sel $0x180000  }
0x13f: {  	[bflag:$0x0] =	sbarrier.arrive $0xFFFF  }
0x140: {  	_ =	strace $0x90000047  }
0x141: {  	[bflag:$0x2] =	sbarrier.arrive $0xFFFF  }
0x142: {  	s0 =	rddreg [dreg:$0x6]  }
0x143: {  	s0 =	sadd.s32 @!p0 $0x100000, s0  }
0x144: {  	[sflag:s0] =	ssyncadd.tile.s32 @!p0 $0x1;
	_ =	shalt  }
.Lfunc_end2:
_tile_overlayer_lowered:
.L_overlay_start_2:
0x145: {  	(tag) =	ssettag $0x2  }
0x146: {  	s0 =	rddreg [dreg:$0x0];
	s2 =	stileid.u32  }
0x147: {  	s1 =	rddreg [dreg:$0x1];
	p0 =	sne.s32 s2, $0x0  }
0x148: {  	s3 =	rddreg [dreg:$0x2];
	[bflag:$0x3] =	sbarrier.arrive $0xFFFF;
	s2 =	simm.s32 @!p0 $0x1C04  }
0x149: {  	[timem:s3], [sflag:s2] =	dma.local @!p0 [hbm:s0], s1  }
0x14a: {  	s0 =	simm.s32 @!p0 $0x4  }
0x14b: {  	_ =	swait.ge @!p0 [sflag:s0], s1  }
0x14c: {  	s1 =	ssub.s32 @!p0 $0x0, s1;
	[sflag:s0] =	ssyncset.done @!p0 $0x0  }
0x14d: {  	[sflag:s0] =	ssyncadd.s32 @!p0 s1  }
0x14e: {  	[bflag:$0x3] =	sbarrier.arrive $0xFFFF  }
0x14f: {  	_ =	shalt  }

</sc_bundles>
